<compile_context>
chip_gen: v7x
topology: tpu7x:2x2x1
jax: 0.10.2.dev20260603
libtpu: 0.0.44.dev20260713+nightly
codegen_flags: <defaults>
</compile_context>

<pallas_src>
import functools

import jax
import jax.numpy as jnp
from jax import lax
from jax.experimental import pallas as pl
from jax.experimental.pallas import tpu as pltpu
from jax.experimental.pallas import tpu_sc as plsc

D_MODEL = 512
HALF = D_MODEL // 2
RES = 5000
FEAT = 200
VOCAB = 119
B, T = 4096, 20
N = B * T

_NC, _NS = 2, 16
NW = _NC * _NS
TOK_PER_W = N // NW
CHUNK = 40
N_CHUNKS = TOK_PER_W // CHUNK

_VPAD = 120
_KPAD = 256


def _pe_table():
    x = jnp.arange(RES, dtype=jnp.float32).reshape(RES, 1)
    fr = jnp.tile(jnp.arange(HALF, dtype=jnp.float32).reshape(1, HALF), (RES, 1))
    pe = jnp.zeros((RES, HALF), dtype=jnp.float32)
    pe = pe.at[:, 0::2].set(jnp.sin(x / jnp.power(50.0, 2.0 * fr[:, 0::2] / HALF)))
    pe = pe.at[:, 1::2].set(jnp.cos(x / jnp.power(50.0, 2.0 * fr[:, 1::2] / HALF)))
    return pe


def _prep(frac_ref, cbfv_ref, w_ref, brow_ref, es_ref, ps_ref, pls_ref, pe_ref,
          v2_ref, il_ref, ig_ref, p1_ref, p2_ref):
    x = jnp.dot(cbfv_ref[...], w_ref[...], preferred_element_type=jnp.float32)
    v2_ref[...] = (x + brow_ref[...]) * (2.0 ** es_ref[...])
    p1_ref[...] = pe_ref[...] * (2.0 ** ((1.0 - ps_ref[...]) ** 2))
    p2_ref[...] = pe_ref[...] * (2.0 ** ((1.0 - pls_ref[...]) ** 2))
    f = frac_ref[...]
    xf = jnp.maximum(f, 1.0 / RES)
    il_ref[...] = jnp.round(xf * RES).astype(jnp.int32) - 1
    lg = jnp.log2(f)
    xl = 0.0025 * lg * lg
    xl = jnp.maximum(jnp.minimum(xl, 1.0), 1.0 / RES)
    ig_ref[...] = jnp.round(xl * RES).astype(jnp.int32) - 1


def _sc_body(v2_hbm, p1_hbm, p2_hbm, src_hbm, il_hbm, ig_hbm, out_hbm,
             srcv, ilv, igv, buf0, pa0, pb0, buf1, pa1, pb1,
             sg0, sg1, so0, so1):
    wid = lax.axis_index("s") * _NC + lax.axis_index("c")

    pltpu.sync_copy(src_hbm.at[pl.ds(wid * N_CHUNKS, N_CHUNKS)], srcv)
    pltpu.sync_copy(il_hbm.at[pl.ds(wid * N_CHUNKS, N_CHUNKS)], ilv)
    pltpu.sync_copy(ig_hbm.at[pl.ds(wid * N_CHUNKS, N_CHUNKS)], igv)

    H = 24
    H2 = CHUNK - H

    def issue_gathers(c, buf, pa, pb, sem):
        pltpu.async_copy(v2_hbm.at[srcv.at[c, pl.ds(0, H)]], buf.at[pl.ds(0, H)], sem)
        pltpu.async_copy(v2_hbm.at[srcv.at[c, pl.ds(H, H2)]], buf.at[pl.ds(H, H2)], sem)
        pltpu.async_copy(p1_hbm.at[ilv.at[c, pl.ds(0, H)]], pa.at[pl.ds(0, H)], sem)
        pltpu.async_copy(p1_hbm.at[ilv.at[c, pl.ds(H, H2)]], pa.at[pl.ds(H, H2)], sem)
        pltpu.async_copy(p2_hbm.at[igv.at[c, pl.ds(0, H)]], pb.at[pl.ds(0, H)], sem)
        pltpu.async_copy(p2_hbm.at[igv.at[c, pl.ds(H, H2)]], pb.at[pl.ds(H, H2)], sem)

    def wait_gathers(buf, pa, pb, sem):
        pltpu.make_async_copy(v2_hbm.at[pl.ds(0, CHUNK)], buf, sem).wait()
        pltpu.make_async_copy(p1_hbm.at[pl.ds(0, CHUNK)], pa, sem).wait()
        pltpu.make_async_copy(p2_hbm.at[pl.ds(0, CHUNK)], pb, sem).wait()

    def add_pe(buf, pa, pb):
        @plsc.parallel_loop(0, CHUNK, unroll=2)
        def tok_body(t):
            va = [pa[t, pl.ds(j * 16, 16)] for j in range(HALF // 16)]
            vb = [pb[t, pl.ds(j * 16, 16)] for j in range(HALF // 16)]
            for j in range(HALF // 16):
                plsc.addupdate(buf.at[t, pl.ds(j * 16, 16)], va[j])
            for j in range(HALF // 16):
                plsc.addupdate(buf.at[t, pl.ds(HALF + j * 16, 16)], vb[j])

    issue_gathers(0, buf0, pa0, pb0, sg0)
    issue_gathers(1, buf1, pa1, pb1, sg1)

    def super_body(g, carry):
        c0 = 2 * g
        c1 = 2 * g + 1
        base0 = wid * TOK_PER_W + c0 * CHUNK
        base1 = wid * TOK_PER_W + c1 * CHUNK
        wait_gathers(buf0, pa0, pb0, sg0)
        pltpu.async_copy(buf0, out_hbm.at[pl.ds(base0, CHUNK)], so0)
        wait_gathers(buf1, pa1, pb1, sg1)
        pltpu.async_copy(buf1, out_hbm.at[pl.ds(base1, CHUNK)], so1)
        pltpu.make_async_copy(buf0, out_hbm.at[pl.ds(0, CHUNK)], so0).wait()

        @pl.when(c0 + 2 < N_CHUNKS)
        def _():
            issue_gathers(c0 + 2, buf0, pa0, pb0, sg0)

        pltpu.make_async_copy(buf1, out_hbm.at[pl.ds(0, CHUNK)], so1).wait()

        @pl.when(c1 + 2 < N_CHUNKS)
        def _():
            issue_gathers(c1 + 2, buf1, pa1, pb1, sg1)

        return carry

    lax.fori_loop(0, N_CHUNKS // 2, super_body, 0)


def kernel(src, frac, cbfv, W, b, emb_scaler, pos_scaler, pos_scaler_log):
    pe = _pe_table()
    frac2 = frac.reshape(N // 128, 128)
    cbfv_pad = jnp.zeros((_VPAD, _KPAD), jnp.float32).at[:VOCAB, :FEAT].set(cbfv)
    w_pad = jnp.zeros((_KPAD, D_MODEL), jnp.float32).at[:FEAT, :].set(W)
    brow = b.reshape(1, D_MODEL)
    es = jnp.broadcast_to(emb_scaler.reshape(1, 1), (1, D_MODEL))
    ps = jnp.broadcast_to(pos_scaler.reshape(1, 1), (1, HALF))
    pls = jnp.broadcast_to(pos_scaler_log.reshape(1, 1), (1, HALF))

    v2, il, ig, p1, p2 = pl.pallas_call(
        _prep,
        out_shape=[
            jax.ShapeDtypeStruct((_VPAD, D_MODEL), jnp.float32),
            jax.ShapeDtypeStruct((N // 128, 128), jnp.int32),
            jax.ShapeDtypeStruct((N // 128, 128), jnp.int32),
            jax.ShapeDtypeStruct((RES, HALF), jnp.float32),
            jax.ShapeDtypeStruct((RES, HALF), jnp.float32),
        ],
    )(frac2, cbfv_pad, w_pad, brow, es, ps, pls, pe)

    mesh = plsc.VectorSubcoreMesh(core_axis_name="c", subcore_axis_name="s")
    sc = functools.partial(
        pl.kernel,
        mesh=mesh,
        out_type=jax.ShapeDtypeStruct((N, D_MODEL), jnp.float32),
        scratch_types=[
            pltpu.VMEM((N_CHUNKS, CHUNK), jnp.int32),
            pltpu.VMEM((N_CHUNKS, CHUNK), jnp.int32),
            pltpu.VMEM((N_CHUNKS, CHUNK), jnp.int32),
            pltpu.VMEM((CHUNK, D_MODEL), jnp.float32),
            pltpu.VMEM((CHUNK, HALF), jnp.float32),
            pltpu.VMEM((CHUNK, HALF), jnp.float32),
            pltpu.VMEM((CHUNK, D_MODEL), jnp.float32),
            pltpu.VMEM((CHUNK, HALF), jnp.float32),
            pltpu.VMEM((CHUNK, HALF), jnp.float32),
            pltpu.SemaphoreType.DMA,
            pltpu.SemaphoreType.DMA,
            pltpu.SemaphoreType.DMA,
            pltpu.SemaphoreType.DMA,
        ],
    )(_sc_body)

    out = sc(v2, p1, p2, src.reshape(N // CHUNK, CHUNK),
             il.reshape(N // CHUNK, CHUNK), ig.reshape(N // CHUNK, CHUNK))
    return out.reshape(B, T, D_MODEL)

# --- scband reference (transcript-rebuilt; emitter-appended) ---
"""Pipeline reference for scband-encoder-42734924595600 (READ-ONLY COPY).

The authoritative reference and input builder live on the scoring server;
editing this copy changes nothing except your own understanding.
"""

import jax, jax.numpy as jnp
import numpy as np

D_MODEL = 512
HALF = D_MODEL // 2
RES = 5000
FEAT = 200
VOCAB = 119
B, T = 4096, 20


def make_pe_table(resolution, dm):
    x = jnp.arange(resolution, dtype=jnp.float32).reshape(resolution, 1)
    fraction = jnp.tile(jnp.arange(dm, dtype=jnp.float32).reshape(1, dm), (resolution, 1))
    pe = jnp.zeros((resolution, dm), dtype=jnp.float32)
    pe = pe.at[:, 0::2].set(jnp.sin(x / jnp.power(50.0, 2.0 * fraction[:, 0::2] / dm)))
    pe = pe.at[:, 1::2].set(jnp.cos(x / jnp.power(50.0, 2.0 * fraction[:, 1::2] / dm)))
    return pe


def setup_inputs(seed: int = 0):
    key = jax.random.key(seed)
    k1, k2, k3, k4 = jax.random.split(key, 4)
    src = jax.random.randint(k1, (B, T), 0, VOCAB, dtype=jnp.int32)
    frac = jax.random.uniform(k2, (B, T), dtype=jnp.float32)
    # mat2vec table: zero row for padding index 0 + 118 element feature rows
    cbfv = jnp.concatenate([
        jnp.zeros((1, FEAT), dtype=jnp.float32),
        jax.random.normal(k3, (VOCAB - 1, FEAT), dtype=jnp.float32),
    ], axis=0)
    W = jax.random.normal(k4, (FEAT, D_MODEL), dtype=jnp.float32) * (1.0 / np.sqrt(FEAT))
    b = jnp.zeros((D_MODEL,), dtype=jnp.float32)
    emb_scaler = jnp.ones((1,), dtype=jnp.float32)
    pos_scaler = jnp.ones((1,), dtype=jnp.float32)
    pos_scaler_log = jnp.ones((1,), dtype=jnp.float32)
    return dict(src=src, frac=frac, cbfv=cbfv, W=W, b=b,
                emb_scaler=emb_scaler, pos_scaler=pos_scaler,
                pos_scaler_log=pos_scaler_log)


def reference(src, frac, cbfv, W, b, emb_scaler, pos_scaler, pos_scaler_log):
    pe_table = make_pe_table(RES, HALF)
    # Embedder: frozen embedding gather + linear projection, scaled by 2**emb_scaler
    mat2vec_emb = jnp.take(cbfv, src, axis=0)
    x = (mat2vec_emb @ W + b) * (2.0 ** emb_scaler[0])
    pe_scaler = 2.0 ** ((1.0 - pos_scaler[0]) ** 2)
    ple_scaler = 2.0 ** ((1.0 - pos_scaler_log[0]) ** 2)
    # FractionalEncoder (linear, log10=False)
    xf = jnp.clip(frac, 1.0 / RES, None)
    idx_lin = jnp.round(xf * RES).astype(jnp.int32) - 1
    pe_part = jnp.take(pe_table, idx_lin, axis=0) * pe_scaler
    # FractionalEncoder (log10=True)
    xl = 0.0025 * (jnp.log2(frac)) ** 2
    xl = jnp.clip(xl, None, 1.0)
    xl = jnp.clip(xl, 1.0 / RES, None)
    idx_log = jnp.round(xl * RES).astype(jnp.int32) - 1
    ple_part = jnp.take(pe_table, idx_log, axis=0) * ple_scaler
    pe_full = jnp.zeros_like(x).at[:, :, :HALF].set(pe_part)
    ple_full = jnp.zeros_like(x).at[:, :, HALF:].set(ple_part)
    return x + pe_full + ple_full

if __name__ == "__main__":
    import jax
    _d = setup_inputs()
    print(jax.jit(kernel)(*tuple(_d.values())))

</pallas_src>

<mosaic_0001>
#map = affine_map<(d0, d1) -> (0, 0)>
module attributes {stable_mosaic.version = 14 : i64} {
  func.func @_sc_body(%arg0: i32, %arg1: i32, %arg2: memref<120x512xf32, #tpu.memory_space<hbm>>, %arg3: memref<5000x256xf32, #tpu.memory_space<hbm>>, %arg4: memref<5000x256xf32, #tpu.memory_space<hbm>>, %arg5: memref<2048x40xi32, #tpu.memory_space<hbm>>, %arg6: memref<2048x40xi32, #tpu.memory_space<hbm>>, %arg7: memref<2048x40xi32, #tpu.memory_space<hbm>>, %arg8: memref<81920x512xf32, #tpu.memory_space<hbm>>, %arg9: memref<64x40xi32, #tpu.memory_space<vmem>>, %arg10: memref<64x40xi32, #tpu.memory_space<vmem>>, %arg11: memref<64x40xi32, #tpu.memory_space<vmem>>, %arg12: memref<40x512xf32, #tpu.memory_space<vmem>>, %arg13: memref<40x256xf32, #tpu.memory_space<vmem>>, %arg14: memref<40x256xf32, #tpu.memory_space<vmem>>, %arg15: memref<40x512xf32, #tpu.memory_space<vmem>>, %arg16: memref<40x256xf32, #tpu.memory_space<vmem>>, %arg17: memref<40x256xf32, #tpu.memory_space<vmem>>, %arg18: memref<!tpu.dma_semaphore, #tpu.memory_space<semaphore_mem>>, %arg19: memref<!tpu.dma_semaphore, #tpu.memory_space<semaphore_mem>>, %arg20: memref<!tpu.dma_semaphore, #tpu.memory_space<semaphore_mem>>, %arg21: memref<!tpu.dma_semaphore, #tpu.memory_space<semaphore_mem>>) attributes {dimension_semantics = [#tpu.dimension_semantics<core_parallel>, #tpu.dimension_semantics<subcore_parallel>], iteration_bounds = array<i64: 2, 16>, scalar_prefetch = 0 : i64, scratch_operands = 13 : i64, tpu.core_type = #tpu.core_type<sc_vector_subcore>, window_params = [{transform_indices = #map}, {transform_indices = #map}, {transform_indices = #map}, {transform_indices = #map}, {transform_indices = #map}, {transform_indices = #map}, {transform_indices = #map}]} {
    %mul3A = arith.constant 2 : i32
    %mul3A_0 = arith.muli %arg1, %mul3A : i32
    %add3A = arith.addi %mul3A_0, %arg0 : i32
    %mul3A_1 = arith.constant 64 : i32
    %mul3A_2 = arith.muli %add3A, %mul3A_1 : i32
    "tpu.region"() ({
      %run_scoped3A = tpu.sem_alloc : memref<!tpu.dma_semaphore, #tpu.memory_space<semaphore_mem>>
      %dma_start3A_131 = arith.constant 0 : i32
      %dma_start3A_132 = tpu.memref_slice %arg5[%mul3A_2, %dma_start3A_131] : memref<2048x40xi32, #tpu.memory_space<hbm>> -> memref<64x40xi32, #tpu.memory_space<hbm>>
      %dma_start3A_133 = arith.constant 0 : i32
      %dma_start3A_134 = tpu.memref_slice %arg5[%mul3A_2, %dma_start3A_133] : memref<2048x40xi32, #tpu.memory_space<hbm>> -> memref<64x40xi32, #tpu.memory_space<hbm>>
      tpu.enqueue_dma source(%dma_start3A_134 : memref<64x40xi32, #tpu.memory_space<hbm>>) target(%arg9 : memref<64x40xi32, #tpu.memory_space<vmem>>) target_semaphore(%run_scoped3A : memref<!tpu.dma_semaphore, #tpu.memory_space<semaphore_mem>>)
      %dma_wait3A = arith.constant 0 : i32
      %dma_wait3A_135 = tpu.memref_slice %arg5[%mul3A_2, %dma_wait3A] : memref<2048x40xi32, #tpu.memory_space<hbm>> -> memref<64x40xi32, #tpu.memory_space<hbm>>
      %dma_wait3A_136 = arith.constant 0 : i32
      %dma_wait3A_137 = tpu.memref_slice %arg5[%mul3A_2, %dma_wait3A_136] : memref<2048x40xi32, #tpu.memory_space<hbm>> -> memref<64x40xi32, #tpu.memory_space<hbm>>
      tpu.wait_dma2 semaphore(%run_scoped3A : memref<!tpu.dma_semaphore, #tpu.memory_space<semaphore_mem>>) src(%dma_wait3A_137 : memref<64x40xi32, #tpu.memory_space<hbm>>) dst(%arg9 : memref<64x40xi32, #tpu.memory_space<vmem>>)
      tpu.yield
    }) : () -> ()
    %mul3A_3 = arith.constant 64 : i32
    %mul3A_4 = arith.muli %add3A, %mul3A_3 : i32
    "tpu.region"() ({
      %run_scoped3A = tpu.sem_alloc : memref<!tpu.dma_semaphore, #tpu.memory_space<semaphore_mem>>
      %dma_start3A_131 = arith.constant 0 : i32
      %dma_start3A_132 = tpu.memref_slice %arg6[%mul3A_4, %dma_start3A_131] : memref<2048x40xi32, #tpu.memory_space<hbm>> -> memref<64x40xi32, #tpu.memory_space<hbm>>
      %dma_start3A_133 = arith.constant 0 : i32
      %dma_start3A_134 = tpu.memref_slice %arg6[%mul3A_4, %dma_start3A_133] : memref<2048x40xi32, #tpu.memory_space<hbm>> -> memref<64x40xi32, #tpu.memory_space<hbm>>
      tpu.enqueue_dma source(%dma_start3A_134 : memref<64x40xi32, #tpu.memory_space<hbm>>) target(%arg10 : memref<64x40xi32, #tpu.memory_space<vmem>>) target_semaphore(%run_scoped3A : memref<!tpu.dma_semaphore, #tpu.memory_space<semaphore_mem>>)
      %dma_wait3A = arith.constant 0 : i32
      %dma_wait3A_135 = tpu.memref_slice %arg6[%mul3A_4, %dma_wait3A] : memref<2048x40xi32, #tpu.memory_space<hbm>> -> memref<64x40xi32, #tpu.memory_space<hbm>>
      %dma_wait3A_136 = arith.constant 0 : i32
      %dma_wait3A_137 = tpu.memref_slice %arg6[%mul3A_4, %dma_wait3A_136] : memref<2048x40xi32, #tpu.memory_space<hbm>> -> memref<64x40xi32, #tpu.memory_space<hbm>>
      tpu.wait_dma2 semaphore(%run_scoped3A : memref<!tpu.dma_semaphore, #tpu.memory_space<semaphore_mem>>) src(%dma_wait3A_137 : memref<64x40xi32, #tpu.memory_space<hbm>>) dst(%arg10 : memref<64x40xi32, #tpu.memory_space<vmem>>)
      tpu.yield
    }) : () -> ()
    %mul3A_5 = arith.constant 64 : i32
    %mul3A_6 = arith.muli %add3A, %mul3A_5 : i32
    "tpu.region"() ({
      %run_scoped3A = tpu.sem_alloc : memref<!tpu.dma_semaphore, #tpu.memory_space<semaphore_mem>>
      %dma_start3A_131 = arith.constant 0 : i32
      %dma_start3A_132 = tpu.memref_slice %arg7[%mul3A_6, %dma_start3A_131] : memref<2048x40xi32, #tpu.memory_space<hbm>> -> memref<64x40xi32, #tpu.memory_space<hbm>>
      %dma_start3A_133 = arith.constant 0 : i32
      %dma_start3A_134 = tpu.memref_slice %arg7[%mul3A_6, %dma_start3A_133] : memref<2048x40xi32, #tpu.memory_space<hbm>> -> memref<64x40xi32, #tpu.memory_space<hbm>>
      tpu.enqueue_dma source(%dma_start3A_134 : memref<64x40xi32, #tpu.memory_space<hbm>>) target(%arg11 : memref<64x40xi32, #tpu.memory_space<vmem>>) target_semaphore(%run_scoped3A : memref<!tpu.dma_semaphore, #tpu.memory_space<semaphore_mem>>)
      %dma_wait3A = arith.constant 0 : i32
      %dma_wait3A_135 = tpu.memref_slice %arg7[%mul3A_6, %dma_wait3A] : memref<2048x40xi32, #tpu.memory_space<hbm>> -> memref<64x40xi32, #tpu.memory_space<hbm>>
      %dma_wait3A_136 = arith.constant 0 : i32
      %dma_wait3A_137 = tpu.memref_slice %arg7[%mul3A_6, %dma_wait3A_136] : memref<2048x40xi32, #tpu.memory_space<hbm>> -> memref<64x40xi32, #tpu.memory_space<hbm>>
      tpu.wait_dma2 semaphore(%run_scoped3A : memref<!tpu.dma_semaphore, #tpu.memory_space<semaphore_mem>>) src(%dma_wait3A_137 : memref<64x40xi32, #tpu.memory_space<hbm>>) dst(%arg11 : memref<64x40xi32, #tpu.memory_space<vmem>>)
      tpu.yield
    }) : () -> ()
    %dma_start3A = arith.constant 0 : i32
    %dma_start3A_7 = arith.constant 0 : i32
    %dma_start3A_8 = arith.constant 0 : i32
    %dma_start3A_9 = tpu.memref_slice %arg12[%dma_start3A_7, %dma_start3A_8] : memref<40x512xf32, #tpu.memory_space<vmem>> -> memref<24x512xf32, #tpu.memory_space<vmem>>
    %dma_start3A_10 = arith.constant 0 : i32
    %dma_start3A_11 = tpu.memref_slice %arg9[%dma_start3A, %dma_start3A_10] : memref<64x40xi32, #tpu.memory_space<vmem>> -> memref<1x24xi32, #tpu.memory_space<vmem>>
    %dma_start3A_12 = tpu.memref_squeeze %dma_start3A_11 : memref<1x24xi32, #tpu.memory_space<vmem>> -> memref<24xi32, #tpu.memory_space<vmem>>
    %dma_start3A_13 = arith.constant 0 : i32
    %dma_start3A_14 = arith.constant 0 : i32
    %dma_start3A_15 = tpu.memref_slice %arg2[%dma_start3A_13, %dma_start3A_14] : memref<120x512xf32, #tpu.memory_space<hbm>> -> memref<120x512xf32, #tpu.memory_space<hbm>>
    tpu.enqueue_indirect_dma source(%dma_start3A_15 : memref<120x512xf32, #tpu.memory_space<hbm>>) target(%dma_start3A_9 : memref<24x512xf32, #tpu.memory_space<vmem>>) offsets(%dma_start3A_12 : memref<24xi32, #tpu.memory_space<vmem>>) semaphore(%arg18 : memref<!tpu.dma_semaphore, #tpu.memory_space<semaphore_mem>>)
    %dma_start3A_16 = arith.constant 0 : i32
    %dma_start3A_17 = arith.constant 24 : i32
    %dma_start3A_18 = arith.constant 0 : i32
    %dma_start3A_19 = tpu.memref_slice %arg12[%dma_start3A_17, %dma_start3A_18] : memref<40x512xf32, #tpu.memory_space<vmem>> -> memref<16x512xf32, #tpu.memory_space<vmem>>
    %dma_start3A_20 = arith.constant 24 : i32
    %dma_start3A_21 = tpu.memref_slice %arg9[%dma_start3A_16, %dma_start3A_20] : memref<64x40xi32, #tpu.memory_space<vmem>> -> memref<1x16xi32, #tpu.memory_space<vmem>>
    %dma_start3A_22 = tpu.memref_squeeze %dma_start3A_21 : memref<1x16xi32, #tpu.memory_space<vmem>> -> memref<16xi32, #tpu.memory_space<vmem>>
    %dma_start3A_23 = arith.constant 0 : i32
    %dma_start3A_24 = arith.constant 0 : i32
    %dma_start3A_25 = tpu.memref_slice %arg2[%dma_start3A_23, %dma_start3A_24] : memref<120x512xf32, #tpu.memory_space<hbm>> -> memref<120x512xf32, #tpu.memory_space<hbm>>
    tpu.enqueue_indirect_dma source(%dma_start3A_25 : memref<120x512xf32, #tpu.memory_space<hbm>>) target(%dma_start3A_19 : memref<16x512xf32, #tpu.memory_space<vmem>>) offsets(%dma_start3A_22 : memref<16xi32, #tpu.memory_space<vmem>>) semaphore(%arg18 : memref<!tpu.dma_semaphore, #tpu.memory_space<semaphore_mem>>)
    %dma_start3A_26 = arith.constant 0 : i32
    %dma_start3A_27 = arith.constant 0 : i32
    %dma_start3A_28 = arith.constant 0 : i32
    %dma_start3A_29 = tpu.memref_slice %arg13[%dma_start3A_27, %dma_start3A_28] : memref<40x256xf32, #tpu.memory_space<vmem>> -> memref<24x256xf32, #tpu.memory_space<vmem>>
    %dma_start3A_30 = arith.constant 0 : i32
    %dma_start3A_31 = tpu.memref_slice %arg10[%dma_start3A_26, %dma_start3A_30] : memref<64x40xi32, #tpu.memory_space<vmem>> -> memref<1x24xi32, #tpu.memory_space<vmem>>
    %dma_start3A_32 = tpu.memref_squeeze %dma_start3A_31 : memref<1x24xi32, #tpu.memory_space<vmem>> -> memref<24xi32, #tpu.memory_space<vmem>>
    %dma_start3A_33 = arith.constant 0 : i32
    %dma_start3A_34 = arith.constant 0 : i32
    %dma_start3A_35 = tpu.memref_slice %arg3[%dma_start3A_33, %dma_start3A_34] : memref<5000x256xf32, #tpu.memory_space<hbm>> -> memref<5000x256xf32, #tpu.memory_space<hbm>>
    tpu.enqueue_indirect_dma source(%dma_start3A_35 : memref<5000x256xf32, #tpu.memory_space<hbm>>) target(%dma_start3A_29 : memref<24x256xf32, #tpu.memory_space<vmem>>) offsets(%dma_start3A_32 : memref<24xi32, #tpu.memory_space<vmem>>) semaphore(%arg18 : memref<!tpu.dma_semaphore, #tpu.memory_space<semaphore_mem>>)
    %dma_start3A_36 = arith.constant 0 : i32
    %dma_start3A_37 = arith.constant 24 : i32
    %dma_start3A_38 = arith.constant 0 : i32
    %dma_start3A_39 = tpu.memref_slice %arg13[%dma_start3A_37, %dma_start3A_38] : memref<40x256xf32, #tpu.memory_space<vmem>> -> memref<16x256xf32, #tpu.memory_space<vmem>>
    %dma_start3A_40 = arith.constant 24 : i32
    %dma_start3A_41 = tpu.memref_slice %arg10[%dma_start3A_36, %dma_start3A_40] : memref<64x40xi32, #tpu.memory_space<vmem>> -> memref<1x16xi32, #tpu.memory_space<vmem>>
    %dma_start3A_42 = tpu.memref_squeeze %dma_start3A_41 : memref<1x16xi32, #tpu.memory_space<vmem>> -> memref<16xi32, #tpu.memory_space<vmem>>
    %dma_start3A_43 = arith.constant 0 : i32
    %dma_start3A_44 = arith.constant 0 : i32
    %dma_start3A_45 = tpu.memref_slice %arg3[%dma_start3A_43, %dma_start3A_44] : memref<5000x256xf32, #tpu.memory_space<hbm>> -> memref<5000x256xf32, #tpu.memory_space<hbm>>
    tpu.enqueue_indirect_dma source(%dma_start3A_45 : memref<5000x256xf32, #tpu.memory_space<hbm>>) target(%dma_start3A_39 : memref<16x256xf32, #tpu.memory_space<vmem>>) offsets(%dma_start3A_42 : memref<16xi32, #tpu.memory_space<vmem>>) semaphore(%arg18 : memref<!tpu.dma_semaphore, #tpu.memory_space<semaphore_mem>>)
    %dma_start3A_46 = arith.constant 0 : i32
    %dma_start3A_47 = arith.constant 0 : i32
    %dma_start3A_48 = arith.constant 0 : i32
    %dma_start3A_49 = tpu.memref_slice %arg14[%dma_start3A_47, %dma_start3A_48] : memref<40x256xf32, #tpu.memory_space<vmem>> -> memref<24x256xf32, #tpu.memory_space<vmem>>
    %dma_start3A_50 = arith.constant 0 : i32
    %dma_start3A_51 = tpu.memref_slice %arg11[%dma_start3A_46, %dma_start3A_50] : memref<64x40xi32, #tpu.memory_space<vmem>> -> memref<1x24xi32, #tpu.memory_space<vmem>>
    %dma_start3A_52 = tpu.memref_squeeze %dma_start3A_51 : memref<1x24xi32, #tpu.memory_space<vmem>> -> memref<24xi32, #tpu.memory_space<vmem>>
    %dma_start3A_53 = arith.constant 0 : i32
    %dma_start3A_54 = arith.constant 0 : i32
    %dma_start3A_55 = tpu.memref_slice %arg4[%dma_start3A_53, %dma_start3A_54] : memref<5000x256xf32, #tpu.memory_space<hbm>> -> memref<5000x256xf32, #tpu.memory_space<hbm>>
    tpu.enqueue_indirect_dma source(%dma_start3A_55 : memref<5000x256xf32, #tpu.memory_space<hbm>>) target(%dma_start3A_49 : memref<24x256xf32, #tpu.memory_space<vmem>>) offsets(%dma_start3A_52 : memref<24xi32, #tpu.memory_space<vmem>>) semaphore(%arg18 : memref<!tpu.dma_semaphore, #tpu.memory_space<semaphore_mem>>)
    %dma_start3A_56 = arith.constant 0 : i32
    %dma_start3A_57 = arith.constant 24 : i32
    %dma_start3A_58 = arith.constant 0 : i32
    %dma_start3A_59 = tpu.memref_slice %arg14[%dma_start3A_57, %dma_start3A_58] : memref<40x256xf32, #tpu.memory_space<vmem>> -> memref<16x256xf32, #tpu.memory_space<vmem>>
    %dma_start3A_60 = arith.constant 24 : i32
    %dma_start3A_61 = tpu.memref_slice %arg11[%dma_start3A_56, %dma_start3A_60] : memref<64x40xi32, #tpu.memory_space<vmem>> -> memref<1x16xi32, #tpu.memory_space<vmem>>
    %dma_start3A_62 = tpu.memref_squeeze %dma_start3A_61 : memref<1x16xi32, #tpu.memory_space<vmem>> -> memref<16xi32, #tpu.memory_space<vmem>>
    %dma_start3A_63 = arith.constant 0 : i32
    %dma_start3A_64 = arith.constant 0 : i32
    %dma_start3A_65 = tpu.memref_slice %arg4[%dma_start3A_63, %dma_start3A_64] : memref<5000x256xf32, #tpu.memory_space<hbm>> -> memref<5000x256xf32, #tpu.memory_space<hbm>>
    tpu.enqueue_indirect_dma source(%dma_start3A_65 : memref<5000x256xf32, #tpu.memory_space<hbm>>) target(%dma_start3A_59 : memref<16x256xf32, #tpu.memory_space<vmem>>) offsets(%dma_start3A_62 : memref<16xi32, #tpu.memory_space<vmem>>) semaphore(%arg18 : memref<!tpu.dma_semaphore, #tpu.memory_space<semaphore_mem>>)
    %dma_start3A_66 = arith.constant 1 : i32
    %dma_start3A_67 = arith.constant 0 : i32
    %dma_start3A_68 = arith.constant 0 : i32
    %dma_start3A_69 = tpu.memref_slice %arg15[%dma_start3A_67, %dma_start3A_68] : memref<40x512xf32, #tpu.memory_space<vmem>> -> memref<24x512xf32, #tpu.memory_space<vmem>>
    %dma_start3A_70 = arith.constant 0 : i32
    %dma_start3A_71 = tpu.memref_slice %arg9[%dma_start3A_66, %dma_start3A_70] : memref<64x40xi32, #tpu.memory_space<vmem>> -> memref<1x24xi32, #tpu.memory_space<vmem>>
    %dma_start3A_72 = tpu.memref_squeeze %dma_start3A_71 : memref<1x24xi32, #tpu.memory_space<vmem>> -> memref<24xi32, #tpu.memory_space<vmem>>
    %dma_start3A_73 = arith.constant 0 : i32
    %dma_start3A_74 = arith.constant 0 : i32
    %dma_start3A_75 = tpu.memref_slice %arg2[%dma_start3A_73, %dma_start3A_74] : memref<120x512xf32, #tpu.memory_space<hbm>> -> memref<120x512xf32, #tpu.memory_space<hbm>>
    tpu.enqueue_indirect_dma source(%dma_start3A_75 : memref<120x512xf32, #tpu.memory_space<hbm>>) target(%dma_start3A_69 : memref<24x512xf32, #tpu.memory_space<vmem>>) offsets(%dma_start3A_72 : memref<24xi32, #tpu.memory_space<vmem>>) semaphore(%arg19 : memref<!tpu.dma_semaphore, #tpu.memory_space<semaphore_mem>>)
    %dma_start3A_76 = arith.constant 1 : i32
    %dma_start3A_77 = arith.constant 24 : i32
    %dma_start3A_78 = arith.constant 0 : i32
    %dma_start3A_79 = tpu.memref_slice %arg15[%dma_start3A_77, %dma_start3A_78] : memref<40x512xf32, #tpu.memory_space<vmem>> -> memref<16x512xf32, #tpu.memory_space<vmem>>
    %dma_start3A_80 = arith.constant 24 : i32
    %dma_start3A_81 = tpu.memref_slice %arg9[%dma_start3A_76, %dma_start3A_80] : memref<64x40xi32, #tpu.memory_space<vmem>> -> memref<1x16xi32, #tpu.memory_space<vmem>>
    %dma_start3A_82 = tpu.memref_squeeze %dma_start3A_81 : memref<1x16xi32, #tpu.memory_space<vmem>> -> memref<16xi32, #tpu.memory_space<vmem>>
    %dma_start3A_83 = arith.constant 0 : i32
    %dma_start3A_84 = arith.constant 0 : i32
    %dma_start3A_85 = tpu.memref_slice %arg2[%dma_start3A_83, %dma_start3A_84] : memref<120x512xf32, #tpu.memory_space<hbm>> -> memref<120x512xf32, #tpu.memory_space<hbm>>
    tpu.enqueue_indirect_dma source(%dma_start3A_85 : memref<120x512xf32, #tpu.memory_space<hbm>>) target(%dma_start3A_79 : memref<16x512xf32, #tpu.memory_space<vmem>>) offsets(%dma_start3A_82 : memref<16xi32, #tpu.memory_space<vmem>>) semaphore(%arg19 : memref<!tpu.dma_semaphore, #tpu.memory_space<semaphore_mem>>)
    %dma_start3A_86 = arith.constant 1 : i32
    %dma_start3A_87 = arith.constant 0 : i32
    %dma_start3A_88 = arith.constant 0 : i32
    %dma_start3A_89 = tpu.memref_slice %arg16[%dma_start3A_87, %dma_start3A_88] : memref<40x256xf32, #tpu.memory_space<vmem>> -> memref<24x256xf32, #tpu.memory_space<vmem>>
    %dma_start3A_90 = arith.constant 0 : i32
    %dma_start3A_91 = tpu.memref_slice %arg10[%dma_start3A_86, %dma_start3A_90] : memref<64x40xi32, #tpu.memory_space<vmem>> -> memref<1x24xi32, #tpu.memory_space<vmem>>
    %dma_start3A_92 = tpu.memref_squeeze %dma_start3A_91 : memref<1x24xi32, #tpu.memory_space<vmem>> -> memref<24xi32, #tpu.memory_space<vmem>>
    %dma_start3A_93 = arith.constant 0 : i32
    %dma_start3A_94 = arith.constant 0 : i32
    %dma_start3A_95 = tpu.memref_slice %arg3[%dma_start3A_93, %dma_start3A_94] : memref<5000x256xf32, #tpu.memory_space<hbm>> -> memref<5000x256xf32, #tpu.memory_space<hbm>>
    tpu.enqueue_indirect_dma source(%dma_start3A_95 : memref<5000x256xf32, #tpu.memory_space<hbm>>) target(%dma_start3A_89 : memref<24x256xf32, #tpu.memory_space<vmem>>) offsets(%dma_start3A_92 : memref<24xi32, #tpu.memory_space<vmem>>) semaphore(%arg19 : memref<!tpu.dma_semaphore, #tpu.memory_space<semaphore_mem>>)
    %dma_start3A_96 = arith.constant 1 : i32
    %dma_start3A_97 = arith.constant 24 : i32
    %dma_start3A_98 = arith.constant 0 : i32
    %dma_start3A_99 = tpu.memref_slice %arg16[%dma_start3A_97, %dma_start3A_98] : memref<40x256xf32, #tpu.memory_space<vmem>> -> memref<16x256xf32, #tpu.memory_space<vmem>>
    %dma_start3A_100 = arith.constant 24 : i32
    %dma_start3A_101 = tpu.memref_slice %arg10[%dma_start3A_96, %dma_start3A_100] : memref<64x40xi32, #tpu.memory_space<vmem>> -> memref<1x16xi32, #tpu.memory_space<vmem>>
    %dma_start3A_102 = tpu.memref_squeeze %dma_start3A_101 : memref<1x16xi32, #tpu.memory_space<vmem>> -> memref<16xi32, #tpu.memory_space<vmem>>
    %dma_start3A_103 = arith.constant 0 : i32
    %dma_start3A_104 = arith.constant 0 : i32
    %dma_start3A_105 = tpu.memref_slice %arg3[%dma_start3A_103, %dma_start3A_104] : memref<5000x256xf32, #tpu.memory_space<hbm>> -> memref<5000x256xf32, #tpu.memory_space<hbm>>
    tpu.enqueue_indirect_dma source(%dma_start3A_105 : memref<5000x256xf32, #tpu.memory_space<hbm>>) target(%dma_start3A_99 : memref<16x256xf32, #tpu.memory_space<vmem>>) offsets(%dma_start3A_102 : memref<16xi32, #tpu.memory_space<vmem>>) semaphore(%arg19 : memref<!tpu.dma_semaphore, #tpu.memory_space<semaphore_mem>>)
    %dma_start3A_106 = arith.constant 1 : i32
    %dma_start3A_107 = arith.constant 0 : i32
    %dma_start3A_108 = arith.constant 0 : i32
    %dma_start3A_109 = tpu.memref_slice %arg17[%dma_start3A_107, %dma_start3A_108] : memref<40x256xf32, #tpu.memory_space<vmem>> -> memref<24x256xf32, #tpu.memory_space<vmem>>
    %dma_start3A_110 = arith.constant 0 : i32
    %dma_start3A_111 = tpu.memref_slice %arg11[%dma_start3A_106, %dma_start3A_110] : memref<64x40xi32, #tpu.memory_space<vmem>> -> memref<1x24xi32, #tpu.memory_space<vmem>>
    %dma_start3A_112 = tpu.memref_squeeze %dma_start3A_111 : memref<1x24xi32, #tpu.memory_space<vmem>> -> memref<24xi32, #tpu.memory_space<vmem>>
    %dma_start3A_113 = arith.constant 0 : i32
    %dma_start3A_114 = arith.constant 0 : i32
    %dma_start3A_115 = tpu.memref_slice %arg4[%dma_start3A_113, %dma_start3A_114] : memref<5000x256xf32, #tpu.memory_space<hbm>> -> memref<5000x256xf32, #tpu.memory_space<hbm>>
    tpu.enqueue_indirect_dma source(%dma_start3A_115 : memref<5000x256xf32, #tpu.memory_space<hbm>>) target(%dma_start3A_109 : memref<24x256xf32, #tpu.memory_space<vmem>>) offsets(%dma_start3A_112 : memref<24xi32, #tpu.memory_space<vmem>>) semaphore(%arg19 : memref<!tpu.dma_semaphore, #tpu.memory_space<semaphore_mem>>)
    %dma_start3A_116 = arith.constant 1 : i32
    %dma_start3A_117 = arith.constant 24 : i32
    %dma_start3A_118 = arith.constant 0 : i32
    %dma_start3A_119 = tpu.memref_slice %arg17[%dma_start3A_117, %dma_start3A_118] : memref<40x256xf32, #tpu.memory_space<vmem>> -> memref<16x256xf32, #tpu.memory_space<vmem>>
    %dma_start3A_120 = arith.constant 24 : i32
    %dma_start3A_121 = tpu.memref_slice %arg11[%dma_start3A_116, %dma_start3A_120] : memref<64x40xi32, #tpu.memory_space<vmem>> -> memref<1x16xi32, #tpu.memory_space<vmem>>
    %dma_start3A_122 = tpu.memref_squeeze %dma_start3A_121 : memref<1x16xi32, #tpu.memory_space<vmem>> -> memref<16xi32, #tpu.memory_space<vmem>>
    %dma_start3A_123 = arith.constant 0 : i32
    %dma_start3A_124 = arith.constant 0 : i32
    %dma_start3A_125 = tpu.memref_slice %arg4[%dma_start3A_123, %dma_start3A_124] : memref<5000x256xf32, #tpu.memory_space<hbm>> -> memref<5000x256xf32, #tpu.memory_space<hbm>>
    tpu.enqueue_indirect_dma source(%dma_start3A_125 : memref<5000x256xf32, #tpu.memory_space<hbm>>) target(%dma_start3A_119 : memref<16x256xf32, #tpu.memory_space<vmem>>) offsets(%dma_start3A_122 : memref<16xi32, #tpu.memory_space<vmem>>) semaphore(%arg19 : memref<!tpu.dma_semaphore, #tpu.memory_space<semaphore_mem>>)
    %scan3A = arith.constant 0 : i32
    %scan3A_126 = arith.constant 0 : i32
    %scan3A_127 = arith.constant 32 : i32
    %scan3A_128 = arith.addi %scan3A_126, %scan3A_127 : i32
    %scan3A_129 = arith.constant 1 : i32
    scf.for %scan3A_131 = %scan3A_126 to %scan3A_128 step %scan3A_129  : i32 {
      %mul3A_132 = arith.constant 2 : i32
      %mul3A_133 = arith.muli %mul3A_132, %scan3A_131 : i32
      %mul3A_134 = arith.constant 2 : i32
      %mul3A_135 = arith.muli %mul3A_134, %scan3A_131 : i32
      %add3A_136 = arith.constant 1 : i32
      %add3A_137 = arith.addi %mul3A_135, %add3A_136 : i32
      %mul3A_138 = arith.constant 2560 : i32
      %mul3A_139 = arith.muli %add3A, %mul3A_138 : i32
      %mul3A_140 = arith.constant 40 : i32
      %mul3A_141 = arith.muli %mul3A_133, %mul3A_140 : i32
      %add3A_142 = arith.addi %mul3A_139, %mul3A_141 : i32
      %mul3A_143 = arith.constant 2560 : i32
      %mul3A_144 = arith.muli %add3A, %mul3A_143 : i32
      %mul3A_145 = arith.constant 40 : i32
      %mul3A_146 = arith.muli %add3A_137, %mul3A_145 : i32
      %add3A_147 = arith.addi %mul3A_144, %mul3A_146 : i32
      %dma_wait3A = arith.constant 0 : i32
      %dma_wait3A_148 = arith.constant 0 : i32
      %dma_wait3A_149 = tpu.memref_slice %arg2[%dma_wait3A, %dma_wait3A_148] : memref<120x512xf32, #tpu.memory_space<hbm>> -> memref<40x512xf32, #tpu.memory_space<hbm>>
      %dma_wait3A_150 = arith.constant 0 : i32
      %dma_wait3A_151 = arith.constant 0 : i32
      %dma_wait3A_152 = tpu.memref_slice %arg2[%dma_wait3A_150, %dma_wait3A_151] : memref<120x512xf32, #tpu.memory_space<hbm>> -> memref<40x512xf32, #tpu.memory_space<hbm>>
      tpu.wait_dma2 semaphore(%arg18 : memref<!tpu.dma_semaphore, #tpu.memory_space<semaphore_mem>>) src(%dma_wait3A_152 : memref<40x512xf32, #tpu.memory_space<hbm>>) dst(%arg12 : memref<40x512xf32, #tpu.memory_space<vmem>>)
      %dma_wait3A_153 = arith.constant 0 : i32
      %dma_wait3A_154 = arith.constant 0 : i32
      %dma_wait3A_155 = tpu.memref_slice %arg3[%dma_wait3A_153, %dma_wait3A_154] : memref<5000x256xf32, #tpu.memory_space<hbm>> -> memref<40x256xf32, #tpu.memory_space<hbm>>
      %dma_wait3A_156 = arith.constant 0 : i32
      %dma_wait3A_157 = arith.constant 0 : i32
      %dma_wait3A_158 = tpu.memref_slice %arg3[%dma_wait3A_156, %dma_wait3A_157] : memref<5000x256xf32, #tpu.memory_space<hbm>> -> memref<40x256xf32, #tpu.memory_space<hbm>>
      tpu.wait_dma2 semaphore(%arg18 : memref<!tpu.dma_semaphore, #tpu.memory_space<semaphore_mem>>) src(%dma_wait3A_158 : memref<40x256xf32, #tpu.memory_space<hbm>>) dst(%arg13 : memref<40x256xf32, #tpu.memory_space<vmem>>)
      %dma_wait3A_159 = arith.constant 0 : i32
      %dma_wait3A_160 = arith.constant 0 : i32
      %dma_wait3A_161 = tpu.memref_slice %arg4[%dma_wait3A_159, %dma_wait3A_160] : memref<5000x256xf32, #tpu.memory_space<hbm>> -> memref<40x256xf32, #tpu.memory_space<hbm>>
      %dma_wait3A_162 = arith.constant 0 : i32
      %dma_wait3A_163 = arith.constant 0 : i32
      %dma_wait3A_164 = tpu.memref_slice %arg4[%dma_wait3A_162, %dma_wait3A_163] : memref<5000x256xf32, #tpu.memory_space<hbm>> -> memref<40x256xf32, #tpu.memory_space<hbm>>
      tpu.wait_dma2 semaphore(%arg18 : memref<!tpu.dma_semaphore, #tpu.memory_space<semaphore_mem>>) src(%dma_wait3A_164 : memref<40x256xf32, #tpu.memory_space<hbm>>) dst(%arg14 : memref<40x256xf32, #tpu.memory_space<vmem>>)
      %dma_start3A_165 = arith.constant 0 : i32
      %dma_start3A_166 = tpu.memref_slice %arg8[%add3A_142, %dma_start3A_165] : memref<81920x512xf32, #tpu.memory_space<hbm>> -> memref<40x512xf32, #tpu.memory_space<hbm>>
      %dma_start3A_167 = arith.constant 0 : i32
      %dma_start3A_168 = tpu.memref_slice %arg8[%add3A_142, %dma_start3A_167] : memref<81920x512xf32, #tpu.memory_space<hbm>> -> memref<40x512xf32, #tpu.memory_space<hbm>>
      tpu.enqueue_dma source(%arg12 : memref<40x512xf32, #tpu.memory_space<vmem>>) target(%dma_start3A_168 : memref<40x512xf32, #tpu.memory_space<hbm>>) target_semaphore(%arg20 : memref<!tpu.dma_semaphore, #tpu.memory_space<semaphore_mem>>)
      %dma_wait3A_169 = arith.constant 0 : i32
      %dma_wait3A_170 = arith.constant 0 : i32
      %dma_wait3A_171 = tpu.memref_slice %arg2[%dma_wait3A_169, %dma_wait3A_170] : memref<120x512xf32, #tpu.memory_space<hbm>> -> memref<40x512xf32, #tpu.memory_space<hbm>>
      %dma_wait3A_172 = arith.constant 0 : i32
      %dma_wait3A_173 = arith.constant 0 : i32
      %dma_wait3A_174 = tpu.memref_slice %arg2[%dma_wait3A_172, %dma_wait3A_173] : memref<120x512xf32, #tpu.memory_space<hbm>> -> memref<40x512xf32, #tpu.memory_space<hbm>>
      tpu.wait_dma2 semaphore(%arg19 : memref<!tpu.dma_semaphore, #tpu.memory_space<semaphore_mem>>) src(%dma_wait3A_174 : memref<40x512xf32, #tpu.memory_space<hbm>>) dst(%arg15 : memref<40x512xf32, #tpu.memory_space<vmem>>)
      %dma_wait3A_175 = arith.constant 0 : i32
      %dma_wait3A_176 = arith.constant 0 : i32
      %dma_wait3A_177 = tpu.memref_slice %arg3[%dma_wait3A_175, %dma_wait3A_176] : memref<5000x256xf32, #tpu.memory_space<hbm>> -> memref<40x256xf32, #tpu.memory_space<hbm>>
      %dma_wait3A_178 = arith.constant 0 : i32
      %dma_wait3A_179 = arith.constant 0 : i32
      %dma_wait3A_180 = tpu.memref_slice %arg3[%dma_wait3A_178, %dma_wait3A_179] : memref<5000x256xf32, #tpu.memory_space<hbm>> -> memref<40x256xf32, #tpu.memory_space<hbm>>
      tpu.wait_dma2 semaphore(%arg19 : memref<!tpu.dma_semaphore, #tpu.memory_space<semaphore_mem>>) src(%dma_wait3A_180 : memref<40x256xf32, #tpu.memory_space<hbm>>) dst(%arg16 : memref<40x256xf32, #tpu.memory_space<vmem>>)
      %dma_wait3A_181 = arith.constant 0 : i32
      %dma_wait3A_182 = arith.constant 0 : i32
      %dma_wait3A_183 = tpu.memref_slice %arg4[%dma_wait3A_181, %dma_wait3A_182] : memref<5000x256xf32, #tpu.memory_space<hbm>> -> memref<40x256xf32, #tpu.memory_space<hbm>>
      %dma_wait3A_184 = arith.constant 0 : i32
      %dma_wait3A_185 = arith.constant 0 : i32
      %dma_wait3A_186 = tpu.memref_slice %arg4[%dma_wait3A_184, %dma_wait3A_185] : memref<5000x256xf32, #tpu.memory_space<hbm>> -> memref<40x256xf32, #tpu.memory_space<hbm>>
      tpu.wait_dma2 semaphore(%arg19 : memref<!tpu.dma_semaphore, #tpu.memory_space<semaphore_mem>>) src(%dma_wait3A_186 : memref<40x256xf32, #tpu.memory_space<hbm>>) dst(%arg17 : memref<40x256xf32, #tpu.memory_space<vmem>>)
      %dma_start3A_187 = arith.constant 0 : i32
      %dma_start3A_188 = tpu.memref_slice %arg8[%add3A_147, %dma_start3A_187] : memref<81920x512xf32, #tpu.memory_space<hbm>> -> memref<40x512xf32, #tpu.memory_space<hbm>>
      %dma_start3A_189 = arith.constant 0 : i32
      %dma_start3A_190 = tpu.memref_slice %arg8[%add3A_147, %dma_start3A_189] : memref<81920x512xf32, #tpu.memory_space<hbm>> -> memref<40x512xf32, #tpu.memory_space<hbm>>
      tpu.enqueue_dma source(%arg15 : memref<40x512xf32, #tpu.memory_space<vmem>>) target(%dma_start3A_190 : memref<40x512xf32, #tpu.memory_space<hbm>>) target_semaphore(%arg21 : memref<!tpu.dma_semaphore, #tpu.memory_space<semaphore_mem>>)
      %dma_wait3A_191 = arith.constant 0 : i32
      %dma_wait3A_192 = arith.constant 0 : i32
      %dma_wait3A_193 = tpu.memref_slice %arg8[%dma_wait3A_191, %dma_wait3A_192] : memref<81920x512xf32, #tpu.memory_space<hbm>> -> memref<40x512xf32, #tpu.memory_space<hbm>>
      %dma_wait3A_194 = arith.constant 0 : i32
      %dma_wait3A_195 = arith.constant 0 : i32
      %dma_wait3A_196 = tpu.memref_slice %arg8[%dma_wait3A_194, %dma_wait3A_195] : memref<81920x512xf32, #tpu.memory_space<hbm>> -> memref<40x512xf32, #tpu.memory_space<hbm>>
      tpu.wait_dma2 semaphore(%arg20 : memref<!tpu.dma_semaphore, #tpu.memory_space<semaphore_mem>>) src(%arg12 : memref<40x512xf32, #tpu.memory_space<vmem>>) dst(%dma_wait3A_196 : memref<40x512xf32, #tpu.memory_space<hbm>>)
      %add3A_197 = arith.constant 2 : i32
      %add3A_198 = arith.addi %mul3A_133, %add3A_197 : i32
      %lt3A = arith.constant 64 : i32
      %lt3A_199 = arith.cmpi slt, %add3A_198, %lt3A : i32
      %convert_element_type3A = arith.extui %lt3A_199 : i1 to i32
      %cond3A = arith.constant 0 : i32
      %cond3A_200 = arith.cmpi ne, %convert_element_type3A, %cond3A : i32
      scf.if %cond3A_200 {
        %add3A_214 = arith.constant 2 : i32
        %add3A_215 = arith.addi %mul3A_133, %add3A_214 : i32
        %dma_start3A_216 = arith.constant 0 : i32
        %dma_start3A_217 = arith.constant 0 : i32
        %dma_start3A_218 = tpu.memref_slice %arg12[%dma_start3A_216, %dma_start3A_217] : memref<40x512xf32, #tpu.memory_space<vmem>> -> memref<24x512xf32, #tpu.memory_space<vmem>>
        %dma_start3A_219 = arith.constant 0 : i32
        %dma_start3A_220 = tpu.memref_slice %arg9[%add3A_215, %dma_start3A_219] : memref<64x40xi32, #tpu.memory_space<vmem>> -> memref<1x24xi32, #tpu.memory_space<vmem>>
        %dma_start3A_221 = tpu.memref_squeeze %dma_start3A_220 : memref<1x24xi32, #tpu.memory_space<vmem>> -> memref<24xi32, #tpu.memory_space<vmem>>
        %dma_start3A_222 = arith.constant 0 : i32
        %dma_start3A_223 = arith.constant 0 : i32
        %dma_start3A_224 = tpu.memref_slice %arg2[%dma_start3A_222, %dma_start3A_223] : memref<120x512xf32, #tpu.memory_space<hbm>> -> memref<120x512xf32, #tpu.memory_space<hbm>>
        tpu.enqueue_indirect_dma source(%dma_start3A_224 : memref<120x512xf32, #tpu.memory_space<hbm>>) target(%dma_start3A_218 : memref<24x512xf32, #tpu.memory_space<vmem>>) offsets(%dma_start3A_221 : memref<24xi32, #tpu.memory_space<vmem>>) semaphore(%arg18 : memref<!tpu.dma_semaphore, #tpu.memory_space<semaphore_mem>>)
        %dma_start3A_225 = arith.constant 24 : i32
        %dma_start3A_226 = arith.constant 0 : i32
        %dma_start3A_227 = tpu.memref_slice %arg12[%dma_start3A_225, %dma_start3A_226] : memref<40x512xf32, #tpu.memory_space<vmem>> -> memref<16x512xf32, #tpu.memory_space<vmem>>
        %dma_start3A_228 = arith.constant 24 : i32
        %dma_start3A_229 = tpu.memref_slice %arg9[%add3A_215, %dma_start3A_228] : memref<64x40xi32, #tpu.memory_space<vmem>> -> memref<1x16xi32, #tpu.memory_space<vmem>>
        %dma_start3A_230 = tpu.memref_squeeze %dma_start3A_229 : memref<1x16xi32, #tpu.memory_space<vmem>> -> memref<16xi32, #tpu.memory_space<vmem>>
        %dma_start3A_231 = arith.constant 0 : i32
        %dma_start3A_232 = arith.constant 0 : i32
        %dma_start3A_233 = tpu.memref_slice %arg2[%dma_start3A_231, %dma_start3A_232] : memref<120x512xf32, #tpu.memory_space<hbm>> -> memref<120x512xf32, #tpu.memory_space<hbm>>
        tpu.enqueue_indirect_dma source(%dma_start3A_233 : memref<120x512xf32, #tpu.memory_space<hbm>>) target(%dma_start3A_227 : memref<16x512xf32, #tpu.memory_space<vmem>>) offsets(%dma_start3A_230 : memref<16xi32, #tpu.memory_space<vmem>>) semaphore(%arg18 : memref<!tpu.dma_semaphore, #tpu.memory_space<semaphore_mem>>)
        %dma_start3A_234 = arith.constant 0 : i32
        %dma_start3A_235 = arith.constant 0 : i32
        %dma_start3A_236 = tpu.memref_slice %arg13[%dma_start3A_234, %dma_start3A_235] : memref<40x256xf32, #tpu.memory_space<vmem>> -> memref<24x256xf32, #tpu.memory_space<vmem>>
        %dma_start3A_237 = arith.constant 0 : i32
        %dma_start3A_238 = tpu.memref_slice %arg10[%add3A_215, %dma_start3A_237] : memref<64x40xi32, #tpu.memory_space<vmem>> -> memref<1x24xi32, #tpu.memory_space<vmem>>
        %dma_start3A_239 = tpu.memref_squeeze %dma_start3A_238 : memref<1x24xi32, #tpu.memory_space<vmem>> -> memref<24xi32, #tpu.memory_space<vmem>>
        %dma_start3A_240 = arith.constant 0 : i32
        %dma_start3A_241 = arith.constant 0 : i32
        %dma_start3A_242 = tpu.memref_slice %arg3[%dma_start3A_240, %dma_start3A_241] : memref<5000x256xf32, #tpu.memory_space<hbm>> -> memref<5000x256xf32, #tpu.memory_space<hbm>>
        tpu.enqueue_indirect_dma source(%dma_start3A_242 : memref<5000x256xf32, #tpu.memory_space<hbm>>) target(%dma_start3A_236 : memref<24x256xf32, #tpu.memory_space<vmem>>) offsets(%dma_start3A_239 : memref<24xi32, #tpu.memory_space<vmem>>) semaphore(%arg18 : memref<!tpu.dma_semaphore, #tpu.memory_space<semaphore_mem>>)
        %dma_start3A_243 = arith.constant 24 : i32
        %dma_start3A_244 = arith.constant 0 : i32
        %dma_start3A_245 = tpu.memref_slice %arg13[%dma_start3A_243, %dma_start3A_244] : memref<40x256xf32, #tpu.memory_space<vmem>> -> memref<16x256xf32, #tpu.memory_space<vmem>>
        %dma_start3A_246 = arith.constant 24 : i32
        %dma_start3A_247 = tpu.memref_slice %arg10[%add3A_215, %dma_start3A_246] : memref<64x40xi32, #tpu.memory_space<vmem>> -> memref<1x16xi32, #tpu.memory_space<vmem>>
        %dma_start3A_248 = tpu.memref_squeeze %dma_start3A_247 : memref<1x16xi32, #tpu.memory_space<vmem>> -> memref<16xi32, #tpu.memory_space<vmem>>
        %dma_start3A_249 = arith.constant 0 : i32
        %dma_start3A_250 = arith.constant 0 : i32
        %dma_start3A_251 = tpu.memref_slice %arg3[%dma_start3A_249, %dma_start3A_250] : memref<5000x256xf32, #tpu.memory_space<hbm>> -> memref<5000x256xf32, #tpu.memory_space<hbm>>
        tpu.enqueue_indirect_dma source(%dma_start3A_251 : memref<5000x256xf32, #tpu.memory_space<hbm>>) target(%dma_start3A_245 : memref<16x256xf32, #tpu.memory_space<vmem>>) offsets(%dma_start3A_248 : memref<16xi32, #tpu.memory_space<vmem>>) semaphore(%arg18 : memref<!tpu.dma_semaphore, #tpu.memory_space<semaphore_mem>>)
        %dma_start3A_252 = arith.constant 0 : i32
        %dma_start3A_253 = arith.constant 0 : i32
        %dma_start3A_254 = tpu.memref_slice %arg14[%dma_start3A_252, %dma_start3A_253] : memref<40x256xf32, #tpu.memory_space<vmem>> -> memref<24x256xf32, #tpu.memory_space<vmem>>
        %dma_start3A_255 = arith.constant 0 : i32
        %dma_start3A_256 = tpu.memref_slice %arg11[%add3A_215, %dma_start3A_255] : memref<64x40xi32, #tpu.memory_space<vmem>> -> memref<1x24xi32, #tpu.memory_space<vmem>>
        %dma_start3A_257 = tpu.memref_squeeze %dma_start3A_256 : memref<1x24xi32, #tpu.memory_space<vmem>> -> memref<24xi32, #tpu.memory_space<vmem>>
        %dma_start3A_258 = arith.constant 0 : i32
        %dma_start3A_259 = arith.constant 0 : i32
        %dma_start3A_260 = tpu.memref_slice %arg4[%dma_start3A_258, %dma_start3A_259] : memref<5000x256xf32, #tpu.memory_space<hbm>> -> memref<5000x256xf32, #tpu.memory_space<hbm>>
        tpu.enqueue_indirect_dma source(%dma_start3A_260 : memref<5000x256xf32, #tpu.memory_space<hbm>>) target(%dma_start3A_254 : memref<24x256xf32, #tpu.memory_space<vmem>>) offsets(%dma_start3A_257 : memref<24xi32, #tpu.memory_space<vmem>>) semaphore(%arg18 : memref<!tpu.dma_semaphore, #tpu.memory_space<semaphore_mem>>)
        %dma_start3A_261 = arith.constant 24 : i32
        %dma_start3A_262 = arith.constant 0 : i32
        %dma_start3A_263 = tpu.memref_slice %arg14[%dma_start3A_261, %dma_start3A_262] : memref<40x256xf32, #tpu.memory_space<vmem>> -> memref<16x256xf32, #tpu.memory_space<vmem>>
        %dma_start3A_264 = arith.constant 24 : i32
        %dma_start3A_265 = tpu.memref_slice %arg11[%add3A_215, %dma_start3A_264] : memref<64x40xi32, #tpu.memory_space<vmem>> -> memref<1x16xi32, #tpu.memory_space<vmem>>
        %dma_start3A_266 = tpu.memref_squeeze %dma_start3A_265 : memref<1x16xi32, #tpu.memory_space<vmem>> -> memref<16xi32, #tpu.memory_space<vmem>>
        %dma_start3A_267 = arith.constant 0 : i32
        %dma_start3A_268 = arith.constant 0 : i32
        %dma_start3A_269 = tpu.memref_slice %arg4[%dma_start3A_267, %dma_start3A_268] : memref<5000x256xf32, #tpu.memory_space<hbm>> -> memref<5000x256xf32, #tpu.memory_space<hbm>>
        tpu.enqueue_indirect_dma source(%dma_start3A_269 : memref<5000x256xf32, #tpu.memory_space<hbm>>) target(%dma_start3A_263 : memref<16x256xf32, #tpu.memory_space<vmem>>) offsets(%dma_start3A_266 : memref<16xi32, #tpu.memory_space<vmem>>) semaphore(%arg18 : memref<!tpu.dma_semaphore, #tpu.memory_space<semaphore_mem>>)
      } else {
      }
      %dma_wait3A_201 = arith.constant 0 : i32
      %dma_wait3A_202 = arith.constant 0 : i32
      %dma_wait3A_203 = tpu.memref_slice %arg8[%dma_wait3A_201, %dma_wait3A_202] : memref<81920x512xf32, #tpu.memory_space<hbm>> -> memref<40x512xf32, #tpu.memory_space<hbm>>
      %dma_wait3A_204 = arith.constant 0 : i32
      %dma_wait3A_205 = arith.constant 0 : i32
      %dma_wait3A_206 = tpu.memref_slice %arg8[%dma_wait3A_204, %dma_wait3A_205] : memref<81920x512xf32, #tpu.memory_space<hbm>> -> memref<40x512xf32, #tpu.memory_space<hbm>>
      tpu.wait_dma2 semaphore(%arg21 : memref<!tpu.dma_semaphore, #tpu.memory_space<semaphore_mem>>) src(%arg15 : memref<40x512xf32, #tpu.memory_space<vmem>>) dst(%dma_wait3A_206 : memref<40x512xf32, #tpu.memory_space<hbm>>)
      %add3A_207 = arith.constant 2 : i32
      %add3A_208 = arith.addi %add3A_137, %add3A_207 : i32
      %lt3A_209 = arith.constant 64 : i32
      %lt3A_210 = arith.cmpi slt, %add3A_208, %lt3A_209 : i32
      %convert_element_type3A_211 = arith.extui %lt3A_210 : i1 to i32
      %cond3A_212 = arith.constant 0 : i32
      %cond3A_213 = arith.cmpi ne, %convert_element_type3A_211, %cond3A_212 : i32
      scf.if %cond3A_213 {
        %add3A_214 = arith.constant 2 : i32
        %add3A_215 = arith.addi %add3A_137, %add3A_214 : i32
        %dma_start3A_216 = arith.constant 0 : i32
        %dma_start3A_217 = arith.constant 0 : i32
        %dma_start3A_218 = tpu.memref_slice %arg15[%dma_start3A_216, %dma_start3A_217] : memref<40x512xf32, #tpu.memory_space<vmem>> -> memref<24x512xf32, #tpu.memory_space<vmem>>
        %dma_start3A_219 = arith.constant 0 : i32
        %dma_start3A_220 = tpu.memref_slice %arg9[%add3A_215, %dma_start3A_219] : memref<64x40xi32, #tpu.memory_space<vmem>> -> memref<1x24xi32, #tpu.memory_space<vmem>>
        %dma_start3A_221 = tpu.memref_squeeze %dma_start3A_220 : memref<1x24xi32, #tpu.memory_space<vmem>> -> memref<24xi32, #tpu.memory_space<vmem>>
        %dma_start3A_222 = arith.constant 0 : i32
        %dma_start3A_223 = arith.constant 0 : i32
        %dma_start3A_224 = tpu.memref_slice %arg2[%dma_start3A_222, %dma_start3A_223] : memref<120x512xf32, #tpu.memory_space<hbm>> -> memref<120x512xf32, #tpu.memory_space<hbm>>
        tpu.enqueue_indirect_dma source(%dma_start3A_224 : memref<120x512xf32, #tpu.memory_space<hbm>>) target(%dma_start3A_218 : memref<24x512xf32, #tpu.memory_space<vmem>>) offsets(%dma_start3A_221 : memref<24xi32, #tpu.memory_space<vmem>>) semaphore(%arg19 : memref<!tpu.dma_semaphore, #tpu.memory_space<semaphore_mem>>)
        %dma_start3A_225 = arith.constant 24 : i32
        %dma_start3A_226 = arith.constant 0 : i32
        %dma_start3A_227 = tpu.memref_slice %arg15[%dma_start3A_225, %dma_start3A_226] : memref<40x512xf32, #tpu.memory_space<vmem>> -> memref<16x512xf32, #tpu.memory_space<vmem>>
        %dma_start3A_228 = arith.constant 24 : i32
        %dma_start3A_229 = tpu.memref_slice %arg9[%add3A_215, %dma_start3A_228] : memref<64x40xi32, #tpu.memory_space<vmem>> -> memref<1x16xi32, #tpu.memory_space<vmem>>
        %dma_start3A_230 = tpu.memref_squeeze %dma_start3A_229 : memref<1x16xi32, #tpu.memory_space<vmem>> -> memref<16xi32, #tpu.memory_space<vmem>>
        %dma_start3A_231 = arith.constant 0 : i32
        %dma_start3A_232 = arith.constant 0 : i32
        %dma_start3A_233 = tpu.memref_slice %arg2[%dma_start3A_231, %dma_start3A_232] : memref<120x512xf32, #tpu.memory_space<hbm>> -> memref<120x512xf32, #tpu.memory_space<hbm>>
        tpu.enqueue_indirect_dma source(%dma_start3A_233 : memref<120x512xf32, #tpu.memory_space<hbm>>) target(%dma_start3A_227 : memref<16x512xf32, #tpu.memory_space<vmem>>) offsets(%dma_start3A_230 : memref<16xi32, #tpu.memory_space<vmem>>) semaphore(%arg19 : memref<!tpu.dma_semaphore, #tpu.memory_space<semaphore_mem>>)
        %dma_start3A_234 = arith.constant 0 : i32
        %dma_start3A_235 = arith.constant 0 : i32
        %dma_start3A_236 = tpu.memref_slice %arg16[%dma_start3A_234, %dma_start3A_235] : memref<40x256xf32, #tpu.memory_space<vmem>> -> memref<24x256xf32, #tpu.memory_space<vmem>>
        %dma_start3A_237 = arith.constant 0 : i32
        %dma_start3A_238 = tpu.memref_slice %arg10[%add3A_215, %dma_start3A_237] : memref<64x40xi32, #tpu.memory_space<vmem>> -> memref<1x24xi32, #tpu.memory_space<vmem>>
        %dma_start3A_239 = tpu.memref_squeeze %dma_start3A_238 : memref<1x24xi32, #tpu.memory_space<vmem>> -> memref<24xi32, #tpu.memory_space<vmem>>
        %dma_start3A_240 = arith.constant 0 : i32
        %dma_start3A_241 = arith.constant 0 : i32
        %dma_start3A_242 = tpu.memref_slice %arg3[%dma_start3A_240, %dma_start3A_241] : memref<5000x256xf32, #tpu.memory_space<hbm>> -> memref<5000x256xf32, #tpu.memory_space<hbm>>
        tpu.enqueue_indirect_dma source(%dma_start3A_242 : memref<5000x256xf32, #tpu.memory_space<hbm>>) target(%dma_start3A_236 : memref<24x256xf32, #tpu.memory_space<vmem>>) offsets(%dma_start3A_239 : memref<24xi32, #tpu.memory_space<vmem>>) semaphore(%arg19 : memref<!tpu.dma_semaphore, #tpu.memory_space<semaphore_mem>>)
        %dma_start3A_243 = arith.constant 24 : i32
        %dma_start3A_244 = arith.constant 0 : i32
        %dma_start3A_245 = tpu.memref_slice %arg16[%dma_start3A_243, %dma_start3A_244] : memref<40x256xf32, #tpu.memory_space<vmem>> -> memref<16x256xf32, #tpu.memory_space<vmem>>
        %dma_start3A_246 = arith.constant 24 : i32
        %dma_start3A_247 = tpu.memref_slice %arg10[%add3A_215, %dma_start3A_246] : memref<64x40xi32, #tpu.memory_space<vmem>> -> memref<1x16xi32, #tpu.memory_space<vmem>>
        %dma_start3A_248 = tpu.memref_squeeze %dma_start3A_247 : memref<1x16xi32, #tpu.memory_space<vmem>> -> memref<16xi32, #tpu.memory_space<vmem>>
        %dma_start3A_249 = arith.constant 0 : i32
        %dma_start3A_250 = arith.constant 0 : i32
        %dma_start3A_251 = tpu.memref_slice %arg3[%dma_start3A_249, %dma_start3A_250] : memref<5000x256xf32, #tpu.memory_space<hbm>> -> memref<5000x256xf32, #tpu.memory_space<hbm>>
        tpu.enqueue_indirect_dma source(%dma_start3A_251 : memref<5000x256xf32, #tpu.memory_space<hbm>>) target(%dma_start3A_245 : memref<16x256xf32, #tpu.memory_space<vmem>>) offsets(%dma_start3A_248 : memref<16xi32, #tpu.memory_space<vmem>>) semaphore(%arg19 : memref<!tpu.dma_semaphore, #tpu.memory_space<semaphore_mem>>)
        %dma_start3A_252 = arith.constant 0 : i32
        %dma_start3A_253 = arith.constant 0 : i32
        %dma_start3A_254 = tpu.memref_slice %arg17[%dma_start3A_252, %dma_start3A_253] : memref<40x256xf32, #tpu.memory_space<vmem>> -> memref<24x256xf32, #tpu.memory_space<vmem>>
        %dma_start3A_255 = arith.constant 0 : i32
        %dma_start3A_256 = tpu.memref_slice %arg11[%add3A_215, %dma_start3A_255] : memref<64x40xi32, #tpu.memory_space<vmem>> -> memref<1x24xi32, #tpu.memory_space<vmem>>
        %dma_start3A_257 = tpu.memref_squeeze %dma_start3A_256 : memref<1x24xi32, #tpu.memory_space<vmem>> -> memref<24xi32, #tpu.memory_space<vmem>>
        %dma_start3A_258 = arith.constant 0 : i32
        %dma_start3A_259 = arith.constant 0 : i32
        %dma_start3A_260 = tpu.memref_slice %arg4[%dma_start3A_258, %dma_start3A_259] : memref<5000x256xf32, #tpu.memory_space<hbm>> -> memref<5000x256xf32, #tpu.memory_space<hbm>>
        tpu.enqueue_indirect_dma source(%dma_start3A_260 : memref<5000x256xf32, #tpu.memory_space<hbm>>) target(%dma_start3A_254 : memref<24x256xf32, #tpu.memory_space<vmem>>) offsets(%dma_start3A_257 : memref<24xi32, #tpu.memory_space<vmem>>) semaphore(%arg19 : memref<!tpu.dma_semaphore, #tpu.memory_space<semaphore_mem>>)
        %dma_start3A_261 = arith.constant 24 : i32
        %dma_start3A_262 = arith.constant 0 : i32
        %dma_start3A_263 = tpu.memref_slice %arg17[%dma_start3A_261, %dma_start3A_262] : memref<40x256xf32, #tpu.memory_space<vmem>> -> memref<16x256xf32, #tpu.memory_space<vmem>>
        %dma_start3A_264 = arith.constant 24 : i32
        %dma_start3A_265 = tpu.memref_slice %arg11[%add3A_215, %dma_start3A_264] : memref<64x40xi32, #tpu.memory_space<vmem>> -> memref<1x16xi32, #tpu.memory_space<vmem>>
        %dma_start3A_266 = tpu.memref_squeeze %dma_start3A_265 : memref<1x16xi32, #tpu.memory_space<vmem>> -> memref<16xi32, #tpu.memory_space<vmem>>
        %dma_start3A_267 = arith.constant 0 : i32
        %dma_start3A_268 = arith.constant 0 : i32
        %dma_start3A_269 = tpu.memref_slice %arg4[%dma_start3A_267, %dma_start3A_268] : memref<5000x256xf32, #tpu.memory_space<hbm>> -> memref<5000x256xf32, #tpu.memory_space<hbm>>
        tpu.enqueue_indirect_dma source(%dma_start3A_269 : memref<5000x256xf32, #tpu.memory_space<hbm>>) target(%dma_start3A_263 : memref<16x256xf32, #tpu.memory_space<vmem>>) offsets(%dma_start3A_266 : memref<16xi32, #tpu.memory_space<vmem>>) semaphore(%arg19 : memref<!tpu.dma_semaphore, #tpu.memory_space<semaphore_mem>>)
      } else {
      }
    }
    %scan3A_130 = arith.constant 32 : i32
    return
  }
}

module attributes {stable_mosaic.version = 14 : i64} {
  func.func @_prep(%arg0: memref<640x128xf32, #tpu.memory_space<vmem>>, %arg1: memref<120x256xf32, #tpu.memory_space<vmem>>, %arg2: memref<256x512xf32, #tpu.memory_space<vmem>>, %arg3: memref<1x512xf32, #tpu.memory_space<vmem>>, %arg4: memref<1x512xf32, #tpu.memory_space<vmem>>, %arg5: memref<1x256xf32, #tpu.memory_space<vmem>>, %arg6: memref<1x256xf32, #tpu.memory_space<vmem>>, %arg7: memref<5000x256xf32, #tpu.memory_space<vmem>>, %arg8: memref<120x512xf32, #tpu.memory_space<vmem>>, %arg9: memref<640x128xi32, #tpu.memory_space<vmem>>, %arg10: memref<640x128xi32, #tpu.memory_space<vmem>>, %arg11: memref<5000x256xf32, #tpu.memory_space<vmem>>, %arg12: memref<5000x256xf32, #tpu.memory_space<vmem>>) attributes {dimension_semantics = [], scalar_prefetch = 0 : i64, scratch_operands = 0 : i64, tpu.core_type = #tpu.core_type<tc>} {
    %get3A = arith.constant 0 : index
    %get3A_0 = arith.constant 0 : index
    %get3A_1 = vector.load %arg1[%get3A, %get3A_0] : memref<120x256xf32, #tpu.memory_space<vmem>>, vector<120x256xf32>
    %get3A_2 = arith.constant 0 : index
    %get3A_3 = arith.constant 0 : index
    %get3A_4 = vector.load %arg2[%get3A_2, %get3A_3] : memref<256x512xf32, #tpu.memory_space<vmem>>, vector<256x512xf32>
    %dot_general3A = arith.constant dense<0.000000e+00> : vector<120x512xf32>
    %dot_general3A_5 = tpu.matmul %get3A_1, %get3A_4, %dot_general3A {dimension_numbers = #tpu.dot_dimension_numbers<[1], [0], [0], [1], [0, 0, 1, 1], [], []>, transpose_lhs_hint = false} : vector<120x256xf32>, vector<256x512xf32>, vector<120x512xf32> -> vector<120x512xf32>
    %get3A_6 = arith.constant 0 : index
    %get3A_7 = arith.constant 0 : index
    %get3A_8 = vector.load %arg3[%get3A_6, %get3A_7] : memref<1x512xf32, #tpu.memory_space<vmem>>, vector<1x512xf32>
    %add3A = vector.broadcast %get3A_8 : vector<1x512xf32> to vector<120x512xf32>
    %add3A_9 = arith.addf %dot_general3A_5, %add3A : vector<120x512xf32>
    %get3A_10 = arith.constant 0 : index
    %get3A_11 = arith.constant 0 : index
    %get3A_12 = vector.load %arg4[%get3A_10, %get3A_11] : memref<1x512xf32, #tpu.memory_space<vmem>>, vector<1x512xf32>
    %pow3A = math.exp2 %get3A_12 : vector<1x512xf32>
    %mul3A = vector.broadcast %pow3A : vector<1x512xf32> to vector<120x512xf32>
    %mul3A_13 = arith.mulf %add3A_9, %mul3A : vector<120x512xf32>
    %swap3A = arith.constant 0 : index
    %swap3A_14 = arith.constant 0 : index
    %swap3A_15 = vector.load %arg8[%swap3A, %swap3A_14] : memref<120x512xf32, #tpu.memory_space<vmem>>, vector<120x512xf32>
    tpu.vector_store %arg8[%swap3A, %swap3A_14], %mul3A_13 {strides = array<i32>} : memref<120x512xf32, #tpu.memory_space<vmem>>, vector<120x512xf32>,
    %get3A_16 = arith.constant 0 : index
    %get3A_17 = arith.constant 0 : index
    %get3A_18 = vector.load %arg7[%get3A_16, %get3A_17] : memref<5000x256xf32, #tpu.memory_space<vmem>>, vector<5000x256xf32>
    %get3A_19 = arith.constant 0 : index
    %get3A_20 = arith.constant 0 : index
    %get3A_21 = vector.load %arg5[%get3A_19, %get3A_20] : memref<1x256xf32, #tpu.memory_space<vmem>>, vector<1x256xf32>
    %sub3A = arith.constant 1.000000e+00 : f32
    %sub3A_22 = vector.broadcast %sub3A : f32 to vector<1x256xf32>
    %sub3A_23 = arith.subf %sub3A_22, %get3A_21 : vector<1x256xf32>
    %integer_pow3A = arith.mulf %sub3A_23, %sub3A_23 : vector<1x256xf32>
    %pow3A_24 = math.exp2 %integer_pow3A : vector<1x256xf32>
    %mul3A_25 = vector.broadcast %pow3A_24 : vector<1x256xf32> to vector<5000x256xf32>
    %mul3A_26 = arith.mulf %get3A_18, %mul3A_25 : vector<5000x256xf32>
    %swap3A_27 = arith.constant 0 : index
    %swap3A_28 = arith.constant 0 : index
    %swap3A_29 = vector.load %arg11[%swap3A_27, %swap3A_28] : memref<5000x256xf32, #tpu.memory_space<vmem>>, vector<5000x256xf32>
    tpu.vector_store %arg11[%swap3A_27, %swap3A_28], %mul3A_26 {strides = array<i32>} : memref<5000x256xf32, #tpu.memory_space<vmem>>, vector<5000x256xf32>,
    %get3A_30 = arith.constant 0 : index
    %get3A_31 = arith.constant 0 : index
    %get3A_32 = vector.load %arg7[%get3A_30, %get3A_31] : memref<5000x256xf32, #tpu.memory_space<vmem>>, vector<5000x256xf32>
    %get3A_33 = arith.constant 0 : index
    %get3A_34 = arith.constant 0 : index
    %get3A_35 = vector.load %arg6[%get3A_33, %get3A_34] : memref<1x256xf32, #tpu.memory_space<vmem>>, vector<1x256xf32>
    %sub3A_36 = arith.constant 1.000000e+00 : f32
    %sub3A_37 = vector.broadcast %sub3A_36 : f32 to vector<1x256xf32>
    %sub3A_38 = arith.subf %sub3A_37, %get3A_35 : vector<1x256xf32>
    %integer_pow3A_39 = arith.mulf %sub3A_38, %sub3A_38 : vector<1x256xf32>
    %pow3A_40 = math.exp2 %integer_pow3A_39 : vector<1x256xf32>
    %mul3A_41 = vector.broadcast %pow3A_40 : vector<1x256xf32> to vector<5000x256xf32>
    %mul3A_42 = arith.mulf %get3A_32, %mul3A_41 : vector<5000x256xf32>
    %swap3A_43 = arith.constant 0 : index
    %swap3A_44 = arith.constant 0 : index
    %swap3A_45 = vector.load %arg12[%swap3A_43, %swap3A_44] : memref<5000x256xf32, #tpu.memory_space<vmem>>, vector<5000x256xf32>
    tpu.vector_store %arg12[%swap3A_43, %swap3A_44], %mul3A_42 {strides = array<i32>} : memref<5000x256xf32, #tpu.memory_space<vmem>>, vector<5000x256xf32>,
    %get3A_46 = arith.constant 0 : index
    %get3A_47 = arith.constant 0 : index
    %get3A_48 = vector.load %arg0[%get3A_46, %get3A_47] : memref<640x128xf32, #tpu.memory_space<vmem>>, vector<640x128xf32>
    %max3A = arith.constant 2.000000e-04 : f32
    %max3A_49 = vector.broadcast %max3A : f32 to vector<640x128xf32>
    %max3A_50 = arith.maximumf %get3A_48, %max3A_49 : vector<640x128xf32>
    %mul3A_51 = arith.constant 5.000000e+03 : f32
    %mul3A_52 = vector.broadcast %mul3A_51 : f32 to vector<640x128xf32>
    %mul3A_53 = arith.mulf %max3A_50, %mul3A_52 : vector<640x128xf32>
    %round3A = math.roundeven %mul3A_53 : vector<640x128xf32>
    %convert_element_type3A = arith.fptosi %round3A : vector<640x128xf32> to vector<640x128xi32>
    %sub3A_54 = arith.constant 1 : i32
    %sub3A_55 = vector.broadcast %sub3A_54 : i32 to vector<640x128xi32>
    %sub3A_56 = arith.subi %convert_element_type3A, %sub3A_55 : vector<640x128xi32>
    %swap3A_57 = arith.constant 0 : index
    %swap3A_58 = arith.constant 0 : index
    %swap3A_59 = vector.load %arg9[%swap3A_57, %swap3A_58] : memref<640x128xi32, #tpu.memory_space<vmem>>, vector<640x128xi32>
    tpu.vector_store %arg9[%swap3A_57, %swap3A_58], %sub3A_56 {strides = array<i32>} : memref<640x128xi32, #tpu.memory_space<vmem>>, vector<640x128xi32>,
    %log3A = math.log %get3A_48 : vector<640x128xf32>
    %log3A_60 = arith.constant 2.000000e+00 : f32
    %log3A_61 = math.log %log3A_60 : f32
    %div3A = vector.broadcast %log3A_61 : f32 to vector<640x128xf32>
    %div3A_62 = arith.divf %log3A, %div3A : vector<640x128xf32>
    %mul3A_63 = arith.constant 2.500000e-03 : f32
    %mul3A_64 = vector.broadcast %mul3A_63 : f32 to vector<640x128xf32>
    %mul3A_65 = arith.mulf %mul3A_64, %div3A_62 : vector<640x128xf32>
    %mul3A_66 = arith.mulf %mul3A_65, %div3A_62 : vector<640x128xf32>
    %min3A = arith.constant 1.000000e+00 : f32
    %min3A_67 = vector.broadcast %min3A : f32 to vector<640x128xf32>
    %min3A_68 = arith.minimumf %mul3A_66, %min3A_67 : vector<640x128xf32>
    %max3A_69 = arith.constant 2.000000e-04 : f32
    %max3A_70 = vector.broadcast %max3A_69 : f32 to vector<640x128xf32>
    %max3A_71 = arith.maximumf %min3A_68, %max3A_70 : vector<640x128xf32>
    %mul3A_72 = arith.constant 5.000000e+03 : f32
    %mul3A_73 = vector.broadcast %mul3A_72 : f32 to vector<640x128xf32>
    %mul3A_74 = arith.mulf %max3A_71, %mul3A_73 : vector<640x128xf32>
    %round3A_75 = math.roundeven %mul3A_74 : vector<640x128xf32>
    %convert_element_type3A_76 = arith.fptosi %round3A_75 : vector<640x128xf32> to vector<640x128xi32>
    %sub3A_77 = arith.constant 1 : i32
    %sub3A_78 = vector.broadcast %sub3A_77 : i32 to vector<640x128xi32>
    %sub3A_79 = arith.subi %convert_element_type3A_76, %sub3A_78 : vector<640x128xi32>
    %swap3A_80 = arith.constant 0 : index
    %swap3A_81 = arith.constant 0 : index
    %swap3A_82 = vector.load %arg10[%swap3A_80, %swap3A_81] : memref<640x128xi32, #tpu.memory_space<vmem>>, vector<640x128xi32>
    tpu.vector_store %arg10[%swap3A_80, %swap3A_81], %sub3A_79 {strides = array<i32>} : memref<640x128xi32, #tpu.memory_space<vmem>>, vector<640x128xi32>,
    return
  }
}

</mosaic_0001>

<sc_bundles>
// kernel: kernel.4.cloned.1.call-start
scs
__scs_entry_jumppad:
0x0: {  	(pc) =	sbr.rel $0x88, $3  }
0x1: {  	(tag) =	ssettag $0x0;
	lr =	simm.s32 $0x1  }
0x2: {  	[smem:$0x3F99] =	sst lr;
	_ =	strace $0xD0000000  }
0x3: {  	_ = 	snop  }
0x4: {  	_ = 	snop  }
0x5: {  	_ = 	snop  }
0x6: {  	_ = 	snop  }
0x7: {  	_ = 	snop  }
__scs_overlays_trampoline_lowered:
0x8: {  	[smem:$0x3FA8] =	sst s0  }
0x9: {  	[smem:$0x3FA9] =	sst s1  }
0xa: {  	[smem:$0x3FAA] =	sst s2  }
0xb: {  	[smem:$0x3FAB] =	sst s3  }
0xc: {  	[smem:$0x3FAC] =	sst s4  }
0xd: {  	[smem:$0x3FAD] =	sst s5  }
0xe: {  	[smem:$0x3FAE] =	sst s6  }
0xf: {  	[smem:$0x3FAF] =	sst s7  }
0x10: {  	[smem:$0x3FB0] =	sst s8  }
0x11: {  	[smem:$0x3FB1] =	sst s9;
	s0 =	simm.s32 @!p0 $0x0  }
0x12: {  	s1 =	sld [smem:$0x3F97];
	s0 =	simm.s32 @p0 $0x1  }
0x13: {  	[smem:$0x3FB2] =	sst s0;
	s0 =	simm.s32 @!p1 $0x0  }
0x14: {  	s2 =	sld [smem:$0x3F96];
	s0 =	simm.s32 @p1 $0x1  }
0x15: {  	[smem:$0x3FB3] =	sst s0;
	s0 =	simm.s32 @!p2 $0x0  }
0x16: {  	s3 =	sld [smem:$0x3FDB];
	s0 =	simm.s32 @p2 $0x1  }
0x17: {  	s4 =	simm.s32 $0x1BF5;
	[smem:$0x3FB5] =	sst s0  }
0x18: {  	s0 =	sld [smem:$0x3F98];
	_ =	swait.ge [sflag:s4], $0x0  }
0x19: {  	s7 =	sld [smem:$0x3F99]  }
0x1a: {  	s8 =	sadd.s32 $0xFFFFE003, lr  }
0x1b: {  	s9 =	sadd.s32 $0xFFFFFEF7, lr;
	s5 =	simm.s32 $0xFFFFFFFF;
	p2 =	slt.u32 s8, $0xFFFFF086  }
0x1c: {  	p1 =	slt.u32 s9, $0xF7A;
	s5 =	simm.s32 @!p2 $0x0  }
0x1d: {  	s5 =	simm.s32 @p1 $0x1;
	p0 =	seq.s32 s7, s2  }
0x1e: {  	s7 =	smul.u32 @!p0 $0xF7A, s2;
	p2 =	seq.s32 @!p0 s5, $0x0  }
0x1f: {  	s9 =	smul.u32 $0xF7A, s1;
	s8 =	simm.s32 @!p0 $0x1BF5;
	p2 =	por !p2, p0  }
0x20: {  	[sflag:s8] =	ssyncset.s32 @!p0 $0xFFFFF086;
	s6 =	sadd.s32 @!p0 s3, s7;
	s7 =	simm.s32 @!p0 $0x108  }
0x21: {  	s3 =	sadd.s32 s3, s9;
	s6 =	sadd.s32 @!p0 $0x88, s6;
	s7 =	simm.s32 @p2 $0x1082  }
0x22: {  	[simem:s7], [sflag:s8] =	dma.local @!p0 [hbm:s6], $0xF7A  }
0x23: {  	s9 =	sor.u32 $0xD0000000, s2;
	s6 =	simm.s32 $0x108;
	_ =	swait.ge @!p0 [sflag:s8], $0x0  }
0x24: {  	s3 =	sadd.s32 $0x88, s3;
	s6 =	simm.s32 @!p1 $0x1082;
	[sflag:s4] =	ssyncset.s32 $0xFFFFF086  }
0x25: {  	[simem:s6], [sflag:s4] =	dma.local [hbm:s3], $0xF7A  }
0x26: {  	[smem:$0x3F99] =	sst s1;
	(tag) =	ssettag s2;
	_ =	strace s9  }
0x27: {  	s1 =	sld [smem:$0x3FA9]  }
0x28: {  	s2 =	sld [smem:$0x3FAA]  }
0x29: {  	s4 =	sld [smem:$0x3FAC]  }
0x2a: {  	p0 =	seq.s32 s5, $0x0;
	s5 =	sld [smem:$0x3FAD]  }
0x2b: {  	s6 =	sld [smem:$0x3FAE]  }
0x2c: {  	s7 =	sld [smem:$0x3FAF]  }
0x2d: {  	s3 =	simm.s32 $0x108;
	s8 =	sld [smem:$0x3FB0]  }
0x2e: {  	s3 =	simm.s32 @!p0 $0x1082;
	s9 =	sld [smem:$0x3FB1]  }
0x2f: {  	lr =	sadd.s32 s0, s3;
	s0 =	sld [smem:$0x3FA8]  }
0x30: {  	s3 =	sld [smem:$0x3FAB]  }
0x31: {  	[smem:$0x3FB4] =	sst s10  }
0x32: {  	s10 =	sld [smem:$0x3FB2];
	_ =	sdelay $0x3  }
0x33: {  	p0 =	seq.s32 s10, $0x1;
	s10 =	sld [smem:$0x3FB4];
	_ =	sdelay $0x3  }
0x34: {  	[smem:$0x3FB4] =	sst s10  }
0x35: {  	s10 =	sld [smem:$0x3FB3];
	_ =	sdelay $0x3  }
0x36: {  	p1 =	seq.s32 s10, $0x1;
	s10 =	sld [smem:$0x3FB4];
	_ =	sdelay $0x3  }
0x37: {  	[smem:$0x3FB4] =	sst s10  }
0x38: {  	s10 =	sld [smem:$0x3FB5]  }
0x39: {  	_ = 	snop;
	(pc) =	sbr.ind lr, $3  }
0x3a: {  	_ = 	snop  }
0x3b: {  	_ = 	snop  }
0x3c: {  	p2 =	seq.s32 s10, $0x1;
	s10 =	sld [smem:$0x3FB4]  }
0x3d: {  	_ =	shalt  }
0x3e: {  	_ =	shalt  }
0x3f: {  	_ =	shalt  }
0x40: {  	_ =	shalt  }
0x41: {  	_ =	shalt  }
0x42: {  	_ =	shalt  }
0x43: {  	_ =	shalt  }
0x44: {  	_ =	shalt  }
0x45: {  	_ =	shalt  }
0x46: {  	_ =	shalt  }
0x47: {  	_ =	shalt  }
0x48: {  	_ =	shalt  }
0x49: {  	_ =	shalt  }
0x4a: {  	_ =	shalt  }
0x4b: {  	_ =	shalt  }
0x4c: {  	_ =	shalt  }
0x4d: {  	_ =	shalt  }
0x4e: {  	_ =	shalt  }
0x4f: {  	_ =	shalt  }
0x50: {  	_ =	shalt  }
0x51: {  	_ =	shalt  }
0x52: {  	_ =	shalt  }
0x53: {  	_ =	shalt  }
0x54: {  	_ =	shalt  }
0x55: {  	_ =	shalt  }
0x56: {  	_ =	shalt  }
0x57: {  	_ =	shalt  }
0x58: {  	_ =	shalt  }
0x59: {  	_ =	shalt  }
0x5a: {  	_ =	shalt  }
0x5b: {  	_ =	shalt  }
0x5c: {  	_ =	shalt  }
0x5d: {  	_ =	shalt  }
0x5e: {  	_ =	shalt  }
0x5f: {  	_ =	shalt  }
0x60: {  	_ =	shalt  }
0x61: {  	_ =	shalt  }
0x62: {  	_ =	shalt  }
0x63: {  	_ =	shalt  }
0x64: {  	_ =	shalt  }
0x65: {  	_ =	shalt  }
0x66: {  	_ =	shalt  }
0x67: {  	_ =	shalt  }
0x68: {  	_ =	shalt  }
0x69: {  	_ =	shalt  }
0x6a: {  	_ =	shalt  }
0x6b: {  	_ =	shalt  }
0x6c: {  	_ =	shalt  }
0x6d: {  	_ =	shalt  }
0x6e: {  	_ =	shalt  }
0x6f: {  	_ =	shalt  }
0x70: {  	_ =	shalt  }
0x71: {  	_ =	shalt  }
0x72: {  	_ =	shalt  }
0x73: {  	_ =	shalt  }
0x74: {  	_ =	shalt  }
0x75: {  	_ =	shalt  }
0x76: {  	_ =	shalt  }
0x77: {  	_ =	shalt  }
0x78: {  	_ =	shalt  }
0x79: {  	_ =	shalt  }
0x7a: {  	_ =	shalt  }
0x7b: {  	_ =	shalt  }
0x7c: {  	_ =	shalt  }
0x7d: {  	_ =	shalt  }
0x7e: {  	_ =	shalt  }
0x7f: {  	_ =	shalt  }
0x80: {  	_ =	shalt  }
0x81: {  	_ =	shalt  }
0x82: {  	_ =	shalt  }
0x83: {  	_ =	shalt  }
0x84: {  	_ =	shalt  }
0x85: {  	_ =	shalt  }
0x86: {  	_ =	shalt  }
0x87: {  	_ =	shalt  }
.Lfunc_end0:
.L_simem_size_0:
called_computation.1_lowered:
.L_overlay_start_0:
0x88: {  	s2 =	sld [smem:$0x3FD9]  }
0x89: {  	s3 =	sld [smem:$0x3FFE];
	_ =	sdelay $0x1  }
0x8a: {  	s1 =	srdreg.scid  }
0x8b: {  	s0 =	sand.u32 $0x1, s1  }
0x8c: {  	s17 =	sshll.u32 s0, $0xA;
	s2 =	sadd.s32 s3, s2  }
0x8d: {  	s2 =	sadd.s32 s2, s17  }
0x8e: {  	[smem:$0x3FC0] =	sst s2  }
0x8f: {  	_ = 	snop  }
0x90: {  	s2 =	sld [smem:$0x3FD0];
	(tm) =	ssettm $0x1  }
0x91: {  	s18 =	sld [smem:$0x3FFB];
	_ =	sdelay $0x3  }
0x92: {  	_ =	strace s18  }
0x93: {  	s3 =	sld [smem:$0x3FFC];
	_ =	sdelay $0x3  }
0x94: {  	_ =	strace s3  }
0x95: {  	s3 =	sld [smem:$0x3FFD];
	_ =	sdelay $0x3  }
0x96: {  	_ =	strace s3  }
0x97: {  	_ =	strace $0x8FFFFFFF  }
0x98: {  	s19 =	sld [smem:$0x3FDB];
	_ =	sdelay $0x1  }
0x99: {  	s4 =	simm.s32 $_scs_section_size  }
0x9a: {  	s5 =	simm.s32 $_size__tile_overlayer_lowered;
	s6 =	simm.s32 $_tile_overlayer_lowered  }
0x9b: {  	s22 =	simm.s32 $0x1BFF;
	s21 =	sshll.u32 s6, $0x1;
	s3 =	sadd.s32 s4, s19  }
0x9c: {  	s7 =	simm.s32 $0x0;
	s20 =	sshll.u32 s5, $0x1;
	s5 =	sadd.s32 s21, s3  }
0x9d: {  	[timem:s7], [sflag:s22] =	dma.local [hbm:s5], s20  }
0x9e: {  	_ =	swait.ge [sflag:s22], s20  }
0x9f: {  	s4 =	ssub.s32 $0x0, s20;
	[sflag:s22] =	ssyncset.done $0x0  }
0xa0: {  	[sflag:s22] =	ssyncadd.s32 s4;
	_ =	sdelay $0x1  }
0xa1: {  	s23 =	simm.s32 $0x1B8B  }
0xa2: {  	_ =	swait.ge [sflag:s23], $0x1  }
0xa3: {  	[sflag:s23] =	ssyncset.done $0x0  }
0xa4: {  	s25 =	simm.s32 $0x1B8E;
	s24 =	sld [smem:$0x3FFE];
	[sflag:s23] =	ssyncadd.s32 $0xFFFFFFFF  }
0xa5: {  	s26 =	simm.s32 $execute0_lowered;
	[smem:$0x3FD2] =	sst s25  }
0xa6: {  	s5 =	sshll.u32 s26, $0x1;
	_ =	strace $0x80000046;
	[dreg:$0x1] =	wrdreg $0xFFFFFFFF  }
0xa7: {  	s28 =	simm.s32 $_size_execute0_lowered;
	s3 =	sadd.s32 s3, s5;
	[dreg:$0x0] =	wrdreg $0x0  }
0xa8: {  	s5 =	sshll.u32 s28, $0x1;
	[dreg:$0x2] =	wrdreg s3  }
0xa9: {  	[dreg:$0x3] =	wrdreg s5  }
0xaa: {  	[dreg:$0x4] =	wrdreg $0xC0  }
0xab: {  	_ =	task [dreg:s7], $0x5FFFF  }
0xac: {  	[dreg:$0x1] =	wrdreg $0xFFFFFFFF  }
0xad: {  	[dreg:$0x0] =	wrdreg $0x60  }
0xae: {  	[dreg:$0x2] =	wrdreg s24  }
0xaf: {  	[dreg:$0x3] =	wrdreg s2  }
0xb0: {  	[dreg:$0x4] =	wrdreg $0x9  }
0xb1: {  	_ =	task.clear_ibuf [dreg:s7], $0x5FFFF;
	_ =	strace $0x90000046  }
0xb2: {  	s29 =	simm.s32 $0x9;
	_ =	strace $0x80000048  }
0xb3: {  	_ =	swait.ge [sflag:s29], $0x1  }
0xb4: {  	[sflag:s29] =	ssyncadd.s32 $0xFFFFFFFF  }
0xb5: {  	_ =	strace $0x90000048  }
0xb6: {  	_ =	sfence  }
0xb7: {  	s30 =	sld [smem:$0x0];
	_ =	sdelay $0x2  }
0xb8: {  	s31 =	sshll.u32 s1, $0xD;
	s1 =	sshrl.u32 s1, $0x2  }
0xb9: {  	s3 =	sand.u32 $0x4000, s31;
	s1 =	sadd.s32 s1, s30  }
0xba: {  	s0 =	sor.u32 s3, s0;
	s1 =	sshll.u32 s1, $0x11  }
0xbb: {  	s0 =	sor.u32 s1, s0  }
0xbc: {  	s0 =	sadd.s32 $0x8F2B, s0  }
0xbd: {  	[sflag:s0] =	ssyncadd.remote.s32 $0x1  }
0xbe: {  	_ =	sfence.sel $0xFFFF  }
0xbf: {  	[dreg:$0x0] =	wrdreg $0xFFFFFFFF;
	(pc) =	sbr.abs _section_cstart, $3  }
0xc0: {  	[dreg:$0x1] =	wrdreg $0xFFFFFFFF  }
0xc1: {  	_ =	task.clear_ibuf [dreg:s7], $0x2FFFF;
	_ =	strace $0x9FFFFFFF  }
0xc2: {  	(tm) =	ssettm $0x7FFFFFFF  }
0xc3: {  	_ =	shalt  }
tec
execute0_lowered:
.L_overlay_start_1:
0x0: {  	(tag) =	ssettag $0x1  }
0x1: {  	s0 =	rddreg [dreg:$0x0]  }
0x2: {  	s2 =	rddreg [dreg:$0x1]  }
0x3: {  	s1 =	simm.s32 $0x0;
	s4 =	srdreg.scid;
	s10 =	stileid.u32  }
0x4: {  	s15 =	simm.s32 $0x6000;
	s11 =	simm.s32 $0x12000;
	s12 =	simm.s32 $0x12800  }
0x5: {  	s16 =	simm.s32 $0x13000;
	s17 =	simm.s32 $0x13800;
	s18 =	simm.s32 $0x14000  }
0x6: {  	s19 =	simm.s32 $0x14800;
	s20 =	simm.s32 $0x15000;
	s21 =	simm.s32 $0x15800  }
0x7: {  	s28 =	simm.s32 $0x18800;
	s29 =	simm.s32 $0x19000;
	s30 =	simm.s32 $0x19800  }
0x8: {  	s31 =	simm.s32 $0x1;
	s13 =	simm.s32 $0x4;
	[smem:$0x7FF] =	sst s1  }
0x9: {  	s3 =	sadd.s32 $0x57600, s0;
	s6 =	sand.u32 $0x1, s4;
	s4 =	sadd.s32 $0x9200, s0  }
0xa: {  	s7 =	sshll.u32 s10, $0xB;
	s5 =	sadd.s32 $0x30400, s0;
	s10 =	smul.u32 $0x50000, s10  }
0xb: {  	_ =	strace $0x80000047;
	s8 =	sshll.u32 s6, $0xA;
	s22 =	ssub.s32 $0x2, s6  }
0xc: {  	s6 =	smul.u32 $0x28000, s6;
	s7 =	sor.u32 s8, s7;
	s9 =	sshrl.u32 s22, $0x1  }
0xd: {  	s2 =	sadd.s32 s10, s2;
	s7 =	sadd.s32 s7, s0;
	s8 =	ssub.s32 s22, s9  }
0xe: {  	s9 =	sadd.s32 $0x57700, s0;
	s26 =	sadd.s32 s6, s2;
	s6 =	simm.s32 $0x10000  }
0xf: {  	s22 =	simm.s32 $0x16000;
	s23 =	sadd.s32 $0x1200, s7;
	[dreg:$0x7] =	wrdreg s26  }
.Ltmp0:
0x10: {  	s24 =	sadd.s32 $0x59400, s7;
	[dreg:$0x3] =	wrdreg s23;
	(pc) =	sbr.rel .LBB2_1-.Ltmp0, $4  }
0x11: {  	s0 =	simm.s32 $0x2;
	s7 =	sadd.s32 $0x61400, s7;
	[dreg:$0x4] =	wrdreg s24  }
0x12: {  	v2 =	vlaneseq.u32;
	s2 =	simm.s32 $0x3;
	s25 =	smax.u32 s8, $0x1;
	[dreg:$0x5] =	wrdreg s7  }
0x13: {  	vm0 =	vmmov $0xffff;
	v1 =	vshrl.u32 v2, $0x3;
	s26 =	simm.s32 $0x18000;
	s8 =	simm.s32 $0x0;
	[dreg:$0x6] =	wrdreg s25  }
0x14: {  	v0 =	vand.u32 $0x7, v2;
	v2 =	vor.u32 $0x8, v2;
	v1 =	vmul.u32 $0x8, v1;
	s23 =	simm.s32 $0x16800;
	s24 =	simm.s32 $0x17000;
	s25 =	simm.s32 $0x17800  }
.LBB2_4:
0x15: {  	_ =	swait.ge [sflag:s13], $0x5000  }
0x16: {  	s8 =	rddreg [dreg:$0x8]  }
0x17: {  	s7 =	rddreg [dreg:$0x6];
	s8 =	sadd.s32 $0x1, s8  }
0x18: {  	p0 =	sne.s32 s8, s7  }
.Ltmp1:
0x19: {  	_ = 	snop;
	(pc) =	sbr.rel @!p0 .LBB2_5-.Ltmp1, $3  }
0x1a: {  	_ =	sdelay $0x1  }
0x1b: {  	[sflag:s13] =	ssyncset.done $0x0  }
0x1c: {  	[sflag:s13] =	ssyncadd.s32 $0xFFFFB000  }
.LBB2_1:
0x1d: {  	[dreg:$0x8] =	wrdreg s8  }
0x1e: {  	s7 =	rddreg [dreg:$0x3];
	s8 =	simm.s32 $0x5  }
0x1f: {  	[tilespmem:s1], [sflag:$0x5] =	stream.linear.gather [hbm4b:s7+s1], $0x2000, $0x38;
	[tilespmem:$0x1A000] =	vst v63  }
0x20: {  	_ =	swait.ge [sflag:s8], $0x2000  }
0x21: {  	[sflag:s8] =	ssyncset.done $0x0  }
0x22: {  	s14 =	simm.s32 $0x2000;
	s10 =	rddreg [dreg:$0x4];
	[sflag:s8] =	ssyncadd.s32 $0xFFFFE000  }
0x23: {  	[tilespmem:s14], [sflag:$0x5] =	stream.linear.gather [hbm4b:s10+s1], $0x2000, $0x38;
	[tilespmem:$0x1A000] =	vst v63  }
0x24: {  	_ =	swait.ge [sflag:s8], $0x2000  }
0x25: {  	[sflag:s8] =	ssyncset.done $0x0  }
0x26: {  	s10 =	simm.s32 $0x4000;
	s14 =	rddreg [dreg:$0x5];
	[sflag:s8] =	ssyncadd.s32 $0xFFFFE000  }
0x27: {  	[tilespmem:s10], [sflag:$0x5] =	stream.linear.gather [hbm4b:s14+s1], $0x2000, $0x38;
	[tilespmem:$0x1A000] =	vst v63  }
0x28: {  	_ =	swait.ge [sflag:s8], $0x2000  }
0x29: {  	[sflag:s8] =	ssyncset.done $0x0  }
0x2a: {  	[sflag:s8] =	ssyncadd.s32 $0xFFFFE000  }
0x2b: {  	v3 =	vld [tilespmem:$0x0];
	_ =	sdelay $0x4  }
0x2c: {  	v4 =	vshll.u32 v3, $0x2  }
0x2d: {  	v3 =	vand.u32 $0x7, v3;
	v4 =	vand.u32 $0xFFFFFFE0, v4  }
0x2e: {  	v3 =	vor.u32 v3, v4  }
0x2f: {  	v4 =	vperm.xlane v3, v0;
	_ =	sdelay $0x1  }
0x30: {  	v4 =	vadd.s32 v1, v4;
	_ =	sdelay $0x1  }
0x31: {  	v3 =	vperm.xlane v3, v2;
	_ =	sdelay $0x1  }
0x32: {  	v3 =	vadd.s32 v1, v3  }
0x33: {  	[tilespmem:s15], [sflag:$0x1] =	stream.indirect_vreg.gather [hbm4b:s3+s1], $0x80, v4, vm0, $0xb8;
	[tilespmem:$0x1A000] =	vst v63  }
0x34: {  	s14 =	simm.s32 $0x6800  }
0x35: {  	[tilespmem:s14], [sflag:$0x1] =	stream.indirect_vreg.gather [hbm4b:s9+s1], $0x80, v4, vm0, $0xb8;
	[tilespmem:$0x1A000] =	vst v63  }
0x36: {  	s8 =	simm.s32 $0x7000  }
0x37: {  	[tilespmem:s8], [sflag:$0x1] =	stream.indirect_vreg.gather [hbm4b:s3+s1], $0x80, v3, vm0, $0xb8;
	[tilespmem:$0x1A000] =	vst v63  }
0x38: {  	s10 =	simm.s32 $0x7800  }
0x39: {  	[tilespmem:s10], [sflag:$0x1] =	stream.indirect_vreg.gather [hbm4b:s9+s1], $0x80, v3, vm0, $0xb8;
	[tilespmem:$0x1A000] =	vst v63  }
0x3a: {  	v3 =	vld.msk [tilespmem:$0x10], $0xff;
	_ =	sdelay $0x4  }
0x3b: {  	v47 =	vshll.u32 v3, $0x2  }
0x3c: {  	v3 =	vand.u32 $0x7, v3;
	v4 =	vand.u32 $0xFFFFFFE0, v47  }
0x3d: {  	v3 =	vor.u32 v3, v4  }
0x3e: {  	v3 =	vperm.xlane v3, v0;
	_ =	sdelay $0x1  }
0x3f: {  	v3 =	vadd.s32 v1, v3;
	_ =	sdelay $0x3  }
0x40: {  	s14 =	simm.s32 $0x8000  }
0x41: {  	[tilespmem:s14], [sflag:$0x1] =	stream.indirect_vreg.gather [hbm4b:s3+s1], $0x80, v3, vm0, $0xb8;
	[tilespmem:$0x1A000] =	vst v63  }
0x42: {  	s8 =	simm.s32 $0x8800  }
0x43: {  	[tilespmem:s8], [sflag:$0x1] =	stream.indirect_vreg.gather [hbm4b:s9+s1], $0x80, v3, vm0, $0xb8;
	[tilespmem:$0x1A000] =	vst v63  }
0x44: {  	v3 =	vld [tilespmem:$0x18];
	_ =	sdelay $0x4  }
0x45: {  	v48 =	vshll.u32 v3, $0x2  }
0x46: {  	v3 =	vand.u32 $0x7, v3;
	v4 =	vand.u32 $0xFFFFFFE0, v48  }
0x47: {  	v3 =	vor.u32 v3, v4  }
0x48: {  	v4 =	vperm.xlane v3, v0;
	_ =	sdelay $0x1  }
0x49: {  	v4 =	vadd.s32 v1, v4;
	_ =	sdelay $0x1  }
0x4a: {  	v3 =	vperm.xlane v3, v2;
	_ =	sdelay $0x1  }
0x4b: {  	s10 =	simm.s32 $0x9000;
	v3 =	vadd.s32 v1, v3  }
0x4c: {  	[tilespmem:s10], [sflag:$0x1] =	stream.indirect_vreg.gather [hbm4b:s3+s1], $0x80, v4, vm0, $0xb8;
	[tilespmem:$0x1A000] =	vst v63  }
0x4d: {  	s14 =	simm.s32 $0x9800  }
0x4e: {  	[tilespmem:s14], [sflag:$0x1] =	stream.indirect_vreg.gather [hbm4b:s9+s1], $0x80, v4, vm0, $0xb8;
	[tilespmem:$0x1A000] =	vst v63  }
0x4f: {  	s8 =	simm.s32 $0xA000  }
0x50: {  	[tilespmem:s8], [sflag:$0x1] =	stream.indirect_vreg.gather [hbm4b:s3+s1], $0x80, v3, vm0, $0xb8;
	[tilespmem:$0x1A000] =	vst v63  }
0x51: {  	s10 =	simm.s32 $0xA800  }
0x52: {  	[tilespmem:s10], [sflag:$0x1] =	stream.indirect_vreg.gather [hbm4b:s9+s1], $0x80, v3, vm0, $0xb8;
	[tilespmem:$0x1A000] =	vst v63  }
0x53: {  	v3 =	vld [tilespmem:$0x2000];
	_ =	sdelay $0x4  }
0x54: {  	v49 =	vshll.u32 v3, $0x1  }
0x55: {  	v3 =	vand.u32 $0x7, v3;
	v4 =	vand.u32 $0xFFFFFFF0, v49  }
0x56: {  	v3 =	vor.u32 v3, v4  }
0x57: {  	v4 =	vperm.xlane v3, v0;
	_ =	sdelay $0x1  }
0x58: {  	v3 =	vperm.xlane v3, v2;
	v4 =	vadd.s32 v1, v4;
	_ =	sdelay $0x1  }
0x59: {  	v3 =	vadd.s32 v1, v3;
	_ =	sdelay $0x1  }
0x5a: {  	s14 =	simm.s32 $0xB000  }
0x5b: {  	[tilespmem:s14], [sflag:$0x1] =	stream.indirect_vreg.gather [hbm4b:s4+s1], $0x80, v4, vm0, $0xb8;
	[tilespmem:$0x1A000] =	vst v63  }
0x5c: {  	s8 =	simm.s32 $0xB800  }
0x5d: {  	[tilespmem:s8], [sflag:$0x1] =	stream.indirect_vreg.gather [hbm4b:s4+s1], $0x80, v3, vm0, $0xb8;
	[tilespmem:$0x1A000] =	vst v63  }
0x5e: {  	v3 =	vld.msk [tilespmem:$0x2010], $0xff;
	_ =	sdelay $0x4  }
0x5f: {  	v50 =	vshll.u32 v3, $0x1  }
0x60: {  	v3 =	vand.u32 $0x7, v3;
	v4 =	vand.u32 $0xFFFFFFF0, v50  }
0x61: {  	v3 =	vor.u32 v3, v4  }
0x62: {  	v3 =	vperm.xlane v3, v0;
	_ =	sdelay $0x1  }
0x63: {  	v3 =	vadd.s32 v1, v3;
	_ =	sdelay $0x3  }
0x64: {  	s10 =	simm.s32 $0xC000  }
0x65: {  	[tilespmem:s10], [sflag:$0x1] =	stream.indirect_vreg.gather [hbm4b:s4+s1], $0x80, v3, vm0, $0xb8;
	[tilespmem:$0x1A000] =	vst v63  }
0x66: {  	v3 =	vld [tilespmem:$0x2018];
	_ =	sdelay $0x4  }
0x67: {  	v51 =	vshll.u32 v3, $0x1  }
0x68: {  	v3 =	vand.u32 $0x7, v3;
	v4 =	vand.u32 $0xFFFFFFF0, v51  }
0x69: {  	v3 =	vor.u32 v3, v4  }
0x6a: {  	v4 =	vperm.xlane v3, v0;
	_ =	sdelay $0x1  }
0x6b: {  	v3 =	vperm.xlane v3, v2;
	v4 =	vadd.s32 v1, v4;
	_ =	sdelay $0x1  }
0x6c: {  	v3 =	vadd.s32 v1, v3;
	_ =	sdelay $0x1  }
0x6d: {  	s14 =	simm.s32 $0xC800  }
0x6e: {  	[tilespmem:s14], [sflag:$0x1] =	stream.indirect_vreg.gather [hbm4b:s4+s1], $0x80, v4, vm0, $0xb8;
	[tilespmem:$0x1A000] =	vst v63  }
0x6f: {  	s8 =	simm.s32 $0xD000  }
0x70: {  	[tilespmem:s8], [sflag:$0x1] =	stream.indirect_vreg.gather [hbm4b:s4+s1], $0x80, v3, vm0, $0xb8;
	[tilespmem:$0x1A000] =	vst v63  }
0x71: {  	v3 =	vld [tilespmem:$0x4000];
	_ =	sdelay $0x4  }
0x72: {  	v52 =	vshll.u32 v3, $0x1  }
0x73: {  	v3 =	vand.u32 $0x7, v3;
	v4 =	vand.u32 $0xFFFFFFF0, v52  }
0x74: {  	v3 =	vor.u32 v3, v4  }
0x75: {  	v4 =	vperm.xlane v3, v0;
	_ =	sdelay $0x1  }
0x76: {  	v3 =	vperm.xlane v3, v2;
	v4 =	vadd.s32 v1, v4;
	_ =	sdelay $0x1  }
0x77: {  	v3 =	vadd.s32 v1, v3;
	_ =	sdelay $0x1  }
0x78: {  	s10 =	simm.s32 $0xD800  }
0x79: {  	[tilespmem:s10], [sflag:$0x1] =	stream.indirect_vreg.gather [hbm4b:s5+s1], $0x80, v4, vm0, $0xb8;
	[tilespmem:$0x1A000] =	vst v63  }
0x7a: {  	s14 =	simm.s32 $0xE000  }
0x7b: {  	[tilespmem:s14], [sflag:$0x1] =	stream.indirect_vreg.gather [hbm4b:s5+s1], $0x80, v3, vm0, $0xb8;
	[tilespmem:$0x1A000] =	vst v63  }
0x7c: {  	v3 =	vld.msk [tilespmem:$0x4010], $0xff;
	_ =	sdelay $0x4  }
0x7d: {  	v53 =	vshll.u32 v3, $0x1  }
0x7e: {  	v3 =	vand.u32 $0x7, v3;
	v4 =	vand.u32 $0xFFFFFFF0, v53  }
0x7f: {  	v3 =	vor.u32 v3, v4  }
0x80: {  	v3 =	vperm.xlane v3, v0;
	_ =	sdelay $0x1  }
0x81: {  	v3 =	vadd.s32 v1, v3;
	_ =	sdelay $0x3  }
0x82: {  	s8 =	simm.s32 $0xE800  }
0x83: {  	[tilespmem:s8], [sflag:$0x1] =	stream.indirect_vreg.gather [hbm4b:s5+s1], $0x80, v3, vm0, $0xb8;
	[tilespmem:$0x1A000] =	vst v63  }
0x84: {  	v3 =	vld [tilespmem:$0x4018];
	_ =	sdelay $0x4  }
0x85: {  	v54 =	vshll.u32 v3, $0x1  }
0x86: {  	v3 =	vand.u32 $0x7, v3;
	v4 =	vand.u32 $0xFFFFFFF0, v54  }
0x87: {  	v3 =	vor.u32 v3, v4  }
0x88: {  	v4 =	vperm.xlane v3, v0;
	_ =	sdelay $0x1  }
0x89: {  	v3 =	vperm.xlane v3, v2;
	v4 =	vadd.s32 v1, v4;
	_ =	sdelay $0x1  }
0x8a: {  	v3 =	vadd.s32 v1, v3;
	_ =	sdelay $0x1  }
0x8b: {  	s10 =	simm.s32 $0xF000  }
0x8c: {  	[tilespmem:s10], [sflag:$0x1] =	stream.indirect_vreg.gather [hbm4b:s5+s1], $0x80, v4, vm0, $0xb8;
	[tilespmem:$0x1A000] =	vst v63  }
0x8d: {  	s14 =	simm.s32 $0xF800  }
0x8e: {  	[tilespmem:s14], [sflag:$0x1] =	stream.indirect_vreg.gather [hbm4b:s5+s1], $0x80, v3, vm0, $0xb8;
	[tilespmem:$0x1A000] =	vst v63  }
0x8f: {  	v3 =	vld [tilespmem:$0x80];
	_ =	sdelay $0x4  }
0x90: {  	v55 =	vshll.u32 v3, $0x2  }
0x91: {  	v3 =	vand.u32 $0x7, v3;
	v4 =	vand.u32 $0xFFFFFFE0, v55  }
0x92: {  	v3 =	vor.u32 v3, v4  }
0x93: {  	v4 =	vperm.xlane v3, v0;
	_ =	sdelay $0x1  }
0x94: {  	v4 =	vadd.s32 v1, v4;
	_ =	sdelay $0x1  }
0x95: {  	v3 =	vperm.xlane v3, v2;
	_ =	sdelay $0x1  }
0x96: {  	v3 =	vadd.s32 v1, v3  }
0x97: {  	[tilespmem:s6], [sflag:$0x2] =	stream.indirect_vreg.gather [hbm4b:s3+s1], $0x80, v4, vm0, $0xb8;
	[tilespmem:$0x1A000] =	vst v63  }
0x98: {  	s8 =	simm.s32 $0x10800  }
0x99: {  	[tilespmem:s8], [sflag:$0x2] =	stream.indirect_vreg.gather [hbm4b:s9+s1], $0x80, v4, vm0, $0xb8;
	[tilespmem:$0x1A000] =	vst v63  }
0x9a: {  	s10 =	simm.s32 $0x11000  }
0x9b: {  	[tilespmem:s10], [sflag:$0x2] =	stream.indirect_vreg.gather [hbm4b:s3+s1], $0x80, v3, vm0, $0xb8;
	[tilespmem:$0x1A000] =	vst v63  }
0x9c: {  	s14 =	simm.s32 $0x11800  }
0x9d: {  	[tilespmem:s14], [sflag:$0x2] =	stream.indirect_vreg.gather [hbm4b:s9+s1], $0x80, v3, vm0, $0xb8;
	[tilespmem:$0x1A000] =	vst v63  }
0x9e: {  	v3 =	vld.msk [tilespmem:$0x90], $0xff;
	_ =	sdelay $0x4  }
0x9f: {  	v56 =	vshll.u32 v3, $0x2  }
0xa0: {  	v3 =	vand.u32 $0x7, v3;
	v4 =	vand.u32 $0xFFFFFFE0, v56  }
0xa1: {  	v3 =	vor.u32 v3, v4  }
0xa2: {  	v3 =	vperm.xlane v3, v0;
	_ =	sdelay $0x1  }
0xa3: {  	v3 =	vadd.s32 v1, v3;
	_ =	sdelay $0x4  }
0xa4: {  	[tilespmem:s11], [sflag:$0x2] =	stream.indirect_vreg.gather [hbm4b:s3+s1], $0x80, v3, vm0, $0xb8;
	[tilespmem:$0x1A000] =	vst v63  }
0xa5: {  	_ = 	snop  }
0xa6: {  	[tilespmem:s12], [sflag:$0x2] =	stream.indirect_vreg.gather [hbm4b:s9+s1], $0x80, v3, vm0, $0xb8;
	[tilespmem:$0x1A000] =	vst v63  }
0xa7: {  	v3 =	vld [tilespmem:$0x98];
	_ =	sdelay $0x4  }
0xa8: {  	v57 =	vshll.u32 v3, $0x2  }
0xa9: {  	v3 =	vand.u32 $0x7, v3;
	v4 =	vand.u32 $0xFFFFFFE0, v57  }
0xaa: {  	v3 =	vor.u32 v3, v4  }
0xab: {  	v4 =	vperm.xlane v3, v0;
	_ =	sdelay $0x1  }
0xac: {  	v4 =	vadd.s32 v1, v4;
	_ =	sdelay $0x1  }
0xad: {  	v3 =	vperm.xlane v3, v2;
	_ =	sdelay $0x1  }
0xae: {  	v3 =	vadd.s32 v1, v3  }
0xaf: {  	[tilespmem:s16], [sflag:$0x2] =	stream.indirect_vreg.gather [hbm4b:s3+s1], $0x80, v4, vm0, $0xb8;
	[tilespmem:$0x1A000] =	vst v63  }
0xb0: {  	_ = 	snop  }
0xb1: {  	[tilespmem:s17], [sflag:$0x2] =	stream.indirect_vreg.gather [hbm4b:s9+s1], $0x80, v4, vm0, $0xb8;
	[tilespmem:$0x1A000] =	vst v63  }
0xb2: {  	_ = 	snop  }
0xb3: {  	[tilespmem:s18], [sflag:$0x2] =	stream.indirect_vreg.gather [hbm4b:s3+s1], $0x80, v3, vm0, $0xb8;
	[tilespmem:$0x1A000] =	vst v63  }
0xb4: {  	_ = 	snop  }
0xb5: {  	[tilespmem:s19], [sflag:$0x2] =	stream.indirect_vreg.gather [hbm4b:s9+s1], $0x80, v3, vm0, $0xb8;
	[tilespmem:$0x1A000] =	vst v63  }
0xb6: {  	v3 =	vld [tilespmem:$0x2080];
	_ =	sdelay $0x4  }
0xb7: {  	v58 =	vshll.u32 v3, $0x1  }
0xb8: {  	v3 =	vand.u32 $0x7, v3;
	v4 =	vand.u32 $0xFFFFFFF0, v58  }
0xb9: {  	v3 =	vor.u32 v3, v4  }
0xba: {  	v4 =	vperm.xlane v3, v0;
	_ =	sdelay $0x1  }
0xbb: {  	v3 =	vperm.xlane v3, v2;
	v4 =	vadd.s32 v1, v4;
	_ =	sdelay $0x1  }
0xbc: {  	v3 =	vadd.s32 v1, v3;
	_ =	sdelay $0x2  }
0xbd: {  	[tilespmem:s20], [sflag:$0x2] =	stream.indirect_vreg.gather [hbm4b:s4+s1], $0x80, v4, vm0, $0xb8;
	[tilespmem:$0x1A000] =	vst v63  }
0xbe: {  	_ = 	snop  }
0xbf: {  	[tilespmem:s21], [sflag:$0x2] =	stream.indirect_vreg.gather [hbm4b:s4+s1], $0x80, v3, vm0, $0xb8;
	[tilespmem:$0x1A000] =	vst v63  }
0xc0: {  	v3 =	vld.msk [tilespmem:$0x2090], $0xff;
	_ =	sdelay $0x4  }
0xc1: {  	v59 =	vshll.u32 v3, $0x1  }
0xc2: {  	v3 =	vand.u32 $0x7, v3;
	v4 =	vand.u32 $0xFFFFFFF0, v59  }
0xc3: {  	v3 =	vor.u32 v3, v4  }
0xc4: {  	v3 =	vperm.xlane v3, v0;
	_ =	sdelay $0x1  }
0xc5: {  	v3 =	vadd.s32 v1, v3;
	_ =	sdelay $0x4  }
0xc6: {  	[tilespmem:s22], [sflag:$0x2] =	stream.indirect_vreg.gather [hbm4b:s4+s1], $0x80, v3, vm0, $0xb8;
	[tilespmem:$0x1A000] =	vst v63  }
0xc7: {  	v3 =	vld [tilespmem:$0x2098];
	_ =	sdelay $0x4  }
0xc8: {  	v60 =	vshll.u32 v3, $0x1  }
0xc9: {  	v3 =	vand.u32 $0x7, v3;
	v4 =	vand.u32 $0xFFFFFFF0, v60  }
0xca: {  	v3 =	vor.u32 v3, v4  }
0xcb: {  	v4 =	vperm.xlane v3, v0;
	_ =	sdelay $0x1  }
0xcc: {  	v3 =	vperm.xlane v3, v2;
	v4 =	vadd.s32 v1, v4;
	_ =	sdelay $0x1  }
0xcd: {  	v3 =	vadd.s32 v1, v3;
	_ =	sdelay $0x2  }
0xce: {  	[tilespmem:s23], [sflag:$0x2] =	stream.indirect_vreg.gather [hbm4b:s4+s1], $0x80, v4, vm0, $0xb8;
	[tilespmem:$0x1A000] =	vst v63  }
0xcf: {  	_ = 	snop  }
0xd0: {  	[tilespmem:s24], [sflag:$0x2] =	stream.indirect_vreg.gather [hbm4b:s4+s1], $0x80, v3, vm0, $0xb8;
	[tilespmem:$0x1A000] =	vst v63  }
0xd1: {  	v3 =	vld [tilespmem:$0x4080];
	_ =	sdelay $0x4  }
0xd2: {  	v61 =	vshll.u32 v3, $0x1  }
0xd3: {  	v3 =	vand.u32 $0x7, v3;
	v4 =	vand.u32 $0xFFFFFFF0, v61  }
0xd4: {  	v3 =	vor.u32 v3, v4  }
0xd5: {  	v4 =	vperm.xlane v3, v0;
	_ =	sdelay $0x1  }
0xd6: {  	v3 =	vperm.xlane v3, v2;
	v4 =	vadd.s32 v1, v4;
	_ =	sdelay $0x1  }
0xd7: {  	v3 =	vadd.s32 v1, v3;
	_ =	sdelay $0x2  }
0xd8: {  	[tilespmem:s25], [sflag:$0x2] =	stream.indirect_vreg.gather [hbm4b:s5+s1], $0x80, v4, vm0, $0xb8;
	[tilespmem:$0x1A000] =	vst v63  }
0xd9: {  	_ = 	snop  }
0xda: {  	[tilespmem:s26], [sflag:$0x2] =	stream.indirect_vreg.gather [hbm4b:s5+s1], $0x80, v3, vm0, $0xb8;
	[tilespmem:$0x1A000] =	vst v63  }
0xdb: {  	v3 =	vld.msk [tilespmem:$0x4090], $0xff;
	_ =	sdelay $0x4  }
0xdc: {  	v62 =	vshll.u32 v3, $0x1  }
0xdd: {  	v3 =	vand.u32 $0x7, v3;
	v4 =	vand.u32 $0xFFFFFFF0, v62  }
0xde: {  	v3 =	vor.u32 v3, v4  }
0xdf: {  	v3 =	vperm.xlane v3, v0;
	_ =	sdelay $0x1  }
0xe0: {  	v3 =	vadd.s32 v1, v3;
	_ =	sdelay $0x4  }
0xe1: {  	[tilespmem:s28], [sflag:$0x2] =	stream.indirect_vreg.gather [hbm4b:s5+s1], $0x80, v3, vm0, $0xb8;
	[tilespmem:$0x1A000] =	vst v63  }
0xe2: {  	v3 =	vld [tilespmem:$0x4098];
	_ =	sdelay $0x4  }
0xe3: {  	v63 =	vshll.u32 v3, $0x1  }
0xe4: {  	v3 =	vand.u32 $0x7, v3;
	v4 =	vand.u32 $0xFFFFFFF0, v63  }
0xe5: {  	v3 =	vor.u32 v3, v4  }
0xe6: {  	v4 =	vperm.xlane v3, v0;
	_ =	sdelay $0x1  }
0xe7: {  	v3 =	vperm.xlane v3, v2;
	v4 =	vadd.s32 v1, v4;
	_ =	sdelay $0x1  }
0xe8: {  	v3 =	vadd.s32 v1, v3;
	_ =	sdelay $0x2  }
0xe9: {  	[tilespmem:s29], [sflag:$0x2] =	stream.indirect_vreg.gather [hbm4b:s5+s1], $0x80, v4, vm0, $0xb8;
	[tilespmem:$0x1A000] =	vst v63  }
0xea: {  	s7 =	simm.s32 $0x0;
	s14 =	rddreg [dreg:$0x7]  }
0xeb: {  	[tilespmem:s30], [sflag:$0x2] =	stream.indirect_vreg.gather [hbm4b:s5+s1], $0x80, v3, vm0, $0xb8;
	[tilespmem:$0x1A000] =	vst v63  }
.LBB2_2:
0xec: {  	_ =	swait.ge [sflag:s31], $0x5000  }
0xed: {  	[sflag:s31] =	ssyncset.done $0x0  }
0xee: {  	[sflag:s31] =	ssyncadd.s32 $0xFFFFB000  }
0xef: {  	_ =	swait.ge [sflag:s31], $0x2800  }
0xf0: {  	[sflag:s31] =	ssyncset.done $0x0  }
0xf1: {  	[sflag:s31] =	ssyncadd.s32 $0xFFFFD800  }
0xf2: {  	_ =	swait.ge [sflag:s31], $0x2800  }
0xf3: {  	[sflag:s31] =	ssyncset.done $0x0  }
0xf4: {  	[sflag:s31] =	ssyncadd.s32 $0xFFFFD800  }
0xf5: {  	[hbm4b:s14+s1] =	stream.linear.scatter [tilespmem:s15], [sflag:$0x3], $0x5000, $0x38;
	[tilespmem:$0x1A000] =	vst v63  }
0xf6: {  	_ =	swait.ge [sflag:s0], $0x5000  }
0xf7: {  	[sflag:s0] =	ssyncset.done $0x0  }
0xf8: {  	[sflag:s0] =	ssyncadd.s32 $0xFFFFB000  }
0xf9: {  	_ =	swait.ge [sflag:s0], $0x2800  }
0xfa: {  	[sflag:s0] =	ssyncset.done $0x0  }
0xfb: {  	[sflag:s0] =	ssyncadd.s32 $0xFFFFD800  }
0xfc: {  	_ =	swait.ge [sflag:s0], $0x2800  }
0xfd: {  	p0 =	seq.s32 s7, $0x7C00;
	[sflag:s0] =	ssyncset.done $0x0  }
.Ltmp2:
0xfe: {  	s8 =	sadd.s32 $0xA00, s14;
	[sflag:s0] =	ssyncadd.s32 $0xFFFFD800;
	(pc) =	sbr.rel @p0 .LBB2_4-.Ltmp2, $4  }
0xff: {  	[hbm4b:s8+s1] =	stream.linear.scatter [tilespmem:s6], [sflag:$0x4], $0x5000, $0x38;
	[tilespmem:$0x1A000] =	vst v63  }
0x100: {  	_ =	swait.ge [sflag:s2], $0x5000  }
0x101: {  	[sflag:s2] =	ssyncset.done $0x0  }
0x102: {  	[sflag:s2] =	ssyncadd.s32 $0xFFFFB000  }
0x103: {  	s8 =	sshra.s32 s7, $0x2  }
0x104: {  	v3 =	vld [tilespmem:s8+$0x100];
	_ =	sdelay $0x4  }
0x105: {  	v4 =	vshll.u32 v3, $0x2  }
0x106: {  	v3 =	vand.u32 $0x7, v3;
	v4 =	vand.u32 $0xFFFFFFE0, v4  }
0x107: {  	v3 =	vor.u32 v3, v4  }
0x108: {  	v4 =	vperm.xlane v3, v0;
	_ =	sdelay $0x1  }
0x109: {  	v4 =	vadd.s32 v1, v4;
	_ =	sdelay $0x1  }
0x10a: {  	v3 =	vperm.xlane v3, v2;
	_ =	sdelay $0x1  }
0x10b: {  	v3 =	vadd.s32 v1, v3  }
0x10c: {  	[tilespmem:s15], [sflag:$0x1] =	stream.indirect_vreg.gather [hbm4b:s3+s1], $0x80, v4, vm0, $0xb8;
	[tilespmem:$0x1A000] =	vst v63  }
0x10d: {  	s10 =	simm.s32 $0x6800  }
0x10e: {  	[tilespmem:s10], [sflag:$0x1] =	stream.indirect_vreg.gather [hbm4b:s9+s1], $0x80, v4, vm0, $0xb8;
	[tilespmem:$0x1A000] =	vst v63  }
0x10f: {  	s10 =	simm.s32 $0x7000  }
0x110: {  	[tilespmem:s10], [sflag:$0x1] =	stream.indirect_vreg.gather [hbm4b:s3+s1], $0x80, v3, vm0, $0xb8;
	[tilespmem:$0x1A000] =	vst v63  }
0x111: {  	s10 =	simm.s32 $0x7800  }
0x112: {  	[tilespmem:s10], [sflag:$0x1] =	stream.indirect_vreg.gather [hbm4b:s9+s1], $0x80, v3, vm0, $0xb8;
	[tilespmem:$0x1A000] =	vst v63  }
0x113: {  	v3 =	vld.msk [tilespmem:s8+$0x110], $0xff;
	_ =	sdelay $0x4  }
0x114: {  	v47 =	vshll.u32 v3, $0x2  }
0x115: {  	v3 =	vand.u32 $0x7, v3;
	v4 =	vand.u32 $0xFFFFFFE0, v47  }
0x116: {  	v3 =	vor.u32 v3, v4  }
0x117: {  	v3 =	vperm.xlane v3, v0;
	_ =	sdelay $0x1  }
0x118: {  	v3 =	vadd.s32 v1, v3;
	_ =	sdelay $0x3  }
0x119: {  	s10 =	simm.s32 $0x8000  }
0x11a: {  	[tilespmem:s10], [sflag:$0x1] =	stream.indirect_vreg.gather [hbm4b:s3+s1], $0x80, v3, vm0, $0xb8;
	[tilespmem:$0x1A000] =	vst v63  }
0x11b: {  	s10 =	simm.s32 $0x8800  }
0x11c: {  	[tilespmem:s10], [sflag:$0x1] =	stream.indirect_vreg.gather [hbm4b:s9+s1], $0x80, v3, vm0, $0xb8;
	[tilespmem:$0x1A000] =	vst v63  }
0x11d: {  	v3 =	vld [tilespmem:s8+$0x118];
	_ =	sdelay $0x4  }
0x11e: {  	v48 =	vshll.u32 v3, $0x2  }
0x11f: {  	v3 =	vand.u32 $0x7, v3;
	v4 =	vand.u32 $0xFFFFFFE0, v48  }
0x120: {  	v3 =	vor.u32 v3, v4  }
0x121: {  	v4 =	vperm.xlane v3, v0;
	_ =	sdelay $0x1  }
0x122: {  	v4 =	vadd.s32 v1, v4;
	_ =	sdelay $0x1  }
0x123: {  	v3 =	vperm.xlane v3, v2;
	_ =	sdelay $0x1  }
0x124: {  	s10 =	simm.s32 $0x9000;
	v3 =	vadd.s32 v1, v3  }
0x125: {  	[tilespmem:s10], [sflag:$0x1] =	stream.indirect_vreg.gather [hbm4b:s3+s1], $0x80, v4, vm0, $0xb8;
	[tilespmem:$0x1A000] =	vst v63  }
0x126: {  	s10 =	simm.s32 $0x9800  }
0x127: {  	[tilespmem:s10], [sflag:$0x1] =	stream.indirect_vreg.gather [hbm4b:s9+s1], $0x80, v4, vm0, $0xb8;
	[tilespmem:$0x1A000] =	vst v63  }
0x128: {  	s10 =	simm.s32 $0xA000  }
0x129: {  	[tilespmem:s10], [sflag:$0x1] =	stream.indirect_vreg.gather [hbm4b:s3+s1], $0x80, v3, vm0, $0xb8;
	[tilespmem:$0x1A000] =	vst v63  }
0x12a: {  	s10 =	simm.s32 $0xA800  }
0x12b: {  	[tilespmem:s10], [sflag:$0x1] =	stream.indirect_vreg.gather [hbm4b:s9+s1], $0x80, v3, vm0, $0xb8;
	[tilespmem:$0x1A000] =	vst v63  }
0x12c: {  	v3 =	vld [tilespmem:s8+$0x2100];
	_ =	sdelay $0x4  }
0x12d: {  	v49 =	vshll.u32 v3, $0x1  }
0x12e: {  	v3 =	vand.u32 $0x7, v3;
	v4 =	vand.u32 $0xFFFFFFF0, v49  }
0x12f: {  	v3 =	vor.u32 v3, v4  }
0x130: {  	v4 =	vperm.xlane v3, v0;
	_ =	sdelay $0x1  }
0x131: {  	v3 =	vperm.xlane v3, v2;
	v4 =	vadd.s32 v1, v4;
	_ =	sdelay $0x1  }
0x132: {  	v3 =	vadd.s32 v1, v3;
	_ =	sdelay $0x1  }
0x133: {  	s10 =	simm.s32 $0xB000  }
0x134: {  	[tilespmem:s10], [sflag:$0x1] =	stream.indirect_vreg.gather [hbm4b:s4+s1], $0x80, v4, vm0, $0xb8;
	[tilespmem:$0x1A000] =	vst v63  }
0x135: {  	s10 =	simm.s32 $0xB800  }
0x136: {  	[tilespmem:s10], [sflag:$0x1] =	stream.indirect_vreg.gather [hbm4b:s4+s1], $0x80, v3, vm0, $0xb8;
	[tilespmem:$0x1A000] =	vst v63  }
0x137: {  	v3 =	vld.msk [tilespmem:s8+$0x2110], $0xff;
	_ =	sdelay $0x4  }
0x138: {  	v50 =	vshll.u32 v3, $0x1  }
0x139: {  	v3 =	vand.u32 $0x7, v3;
	v4 =	vand.u32 $0xFFFFFFF0, v50  }
0x13a: {  	v3 =	vor.u32 v3, v4  }
0x13b: {  	v3 =	vperm.xlane v3, v0;
	_ =	sdelay $0x1  }
0x13c: {  	v3 =	vadd.s32 v1, v3;
	_ =	sdelay $0x3  }
0x13d: {  	s10 =	simm.s32 $0xC000  }
0x13e: {  	[tilespmem:s10], [sflag:$0x1] =	stream.indirect_vreg.gather [hbm4b:s4+s1], $0x80, v3, vm0, $0xb8;
	[tilespmem:$0x1A000] =	vst v63  }
0x13f: {  	v3 =	vld [tilespmem:s8+$0x2118];
	_ =	sdelay $0x4  }
0x140: {  	v51 =	vshll.u32 v3, $0x1  }
0x141: {  	v3 =	vand.u32 $0x7, v3;
	v4 =	vand.u32 $0xFFFFFFF0, v51  }
0x142: {  	v3 =	vor.u32 v3, v4  }
0x143: {  	v4 =	vperm.xlane v3, v0;
	_ =	sdelay $0x1  }
0x144: {  	v3 =	vperm.xlane v3, v2;
	v4 =	vadd.s32 v1, v4;
	_ =	sdelay $0x1  }
0x145: {  	v3 =	vadd.s32 v1, v3;
	_ =	sdelay $0x1  }
0x146: {  	s10 =	simm.s32 $0xC800  }
0x147: {  	[tilespmem:s10], [sflag:$0x1] =	stream.indirect_vreg.gather [hbm4b:s4+s1], $0x80, v4, vm0, $0xb8;
	[tilespmem:$0x1A000] =	vst v63  }
0x148: {  	s10 =	simm.s32 $0xD000  }
0x149: {  	[tilespmem:s10], [sflag:$0x1] =	stream.indirect_vreg.gather [hbm4b:s4+s1], $0x80, v3, vm0, $0xb8;
	[tilespmem:$0x1A000] =	vst v63  }
0x14a: {  	v3 =	vld [tilespmem:s8+$0x4100];
	_ =	sdelay $0x4  }
0x14b: {  	v52 =	vshll.u32 v3, $0x1  }
0x14c: {  	v3 =	vand.u32 $0x7, v3;
	v4 =	vand.u32 $0xFFFFFFF0, v52  }
0x14d: {  	v3 =	vor.u32 v3, v4  }
0x14e: {  	v4 =	vperm.xlane v3, v0;
	_ =	sdelay $0x1  }
0x14f: {  	v3 =	vperm.xlane v3, v2;
	v4 =	vadd.s32 v1, v4;
	_ =	sdelay $0x1  }
0x150: {  	v3 =	vadd.s32 v1, v3;
	_ =	sdelay $0x1  }
0x151: {  	s10 =	simm.s32 $0xD800  }
0x152: {  	[tilespmem:s10], [sflag:$0x1] =	stream.indirect_vreg.gather [hbm4b:s5+s1], $0x80, v4, vm0, $0xb8;
	[tilespmem:$0x1A000] =	vst v63  }
0x153: {  	s10 =	simm.s32 $0xE000  }
0x154: {  	[tilespmem:s10], [sflag:$0x1] =	stream.indirect_vreg.gather [hbm4b:s5+s1], $0x80, v3, vm0, $0xb8;
	[tilespmem:$0x1A000] =	vst v63  }
0x155: {  	v3 =	vld.msk [tilespmem:s8+$0x4110], $0xff;
	_ =	sdelay $0x4  }
0x156: {  	v53 =	vshll.u32 v3, $0x1  }
0x157: {  	v3 =	vand.u32 $0x7, v3;
	v4 =	vand.u32 $0xFFFFFFF0, v53  }
0x158: {  	v3 =	vor.u32 v3, v4  }
0x159: {  	v3 =	vperm.xlane v3, v0;
	_ =	sdelay $0x1  }
0x15a: {  	v3 =	vadd.s32 v1, v3;
	_ =	sdelay $0x3  }
0x15b: {  	s10 =	simm.s32 $0xE800  }
0x15c: {  	[tilespmem:s10], [sflag:$0x1] =	stream.indirect_vreg.gather [hbm4b:s5+s1], $0x80, v3, vm0, $0xb8;
	[tilespmem:$0x1A000] =	vst v63  }
0x15d: {  	v3 =	vld [tilespmem:s8+$0x4118];
	_ =	sdelay $0x4  }
0x15e: {  	v54 =	vshll.u32 v3, $0x1  }
0x15f: {  	v3 =	vand.u32 $0x7, v3;
	v4 =	vand.u32 $0xFFFFFFF0, v54  }
0x160: {  	v3 =	vor.u32 v3, v4  }
0x161: {  	v4 =	vperm.xlane v3, v0;
	_ =	sdelay $0x1  }
0x162: {  	v3 =	vperm.xlane v3, v2;
	v4 =	vadd.s32 v1, v4;
	_ =	sdelay $0x1  }
0x163: {  	v3 =	vadd.s32 v1, v3;
	_ =	sdelay $0x1  }
0x164: {  	s10 =	simm.s32 $0xF000  }
0x165: {  	[tilespmem:s10], [sflag:$0x1] =	stream.indirect_vreg.gather [hbm4b:s5+s1], $0x80, v4, vm0, $0xb8;
	[tilespmem:$0x1A000] =	vst v63  }
0x166: {  	s10 =	simm.s32 $0xF800  }
0x167: {  	[tilespmem:s10], [sflag:$0x1] =	stream.indirect_vreg.gather [hbm4b:s5+s1], $0x80, v3, vm0, $0xb8;
	[tilespmem:$0x1A000] =	vst v63  }
0x168: {  	_ =	swait.ge [sflag:s13], $0x5000  }
0x169: {  	[sflag:s13] =	ssyncset.done $0x0  }
0x16a: {  	[sflag:s13] =	ssyncadd.s32 $0xFFFFB000  }
0x16b: {  	v3 =	vld [tilespmem:s8+$0x180];
	_ =	sdelay $0x4  }
0x16c: {  	v55 =	vshll.u32 v3, $0x2  }
0x16d: {  	v3 =	vand.u32 $0x7, v3;
	v4 =	vand.u32 $0xFFFFFFE0, v55  }
0x16e: {  	v3 =	vor.u32 v3, v4  }
0x16f: {  	v4 =	vperm.xlane v3, v0;
	_ =	sdelay $0x1  }
0x170: {  	v4 =	vadd.s32 v1, v4;
	_ =	sdelay $0x1  }
0x171: {  	v3 =	vperm.xlane v3, v2;
	_ =	sdelay $0x1  }
0x172: {  	v3 =	vadd.s32 v1, v3  }
0x173: {  	[tilespmem:s6], [sflag:$0x2] =	stream.indirect_vreg.gather [hbm4b:s3+s1], $0x80, v4, vm0, $0xb8;
	[tilespmem:$0x1A000] =	vst v63  }
0x174: {  	s10 =	simm.s32 $0x10800  }
0x175: {  	[tilespmem:s10], [sflag:$0x2] =	stream.indirect_vreg.gather [hbm4b:s9+s1], $0x80, v4, vm0, $0xb8;
	[tilespmem:$0x1A000] =	vst v63  }
0x176: {  	s10 =	simm.s32 $0x11000  }
0x177: {  	[tilespmem:s10], [sflag:$0x2] =	stream.indirect_vreg.gather [hbm4b:s3+s1], $0x80, v3, vm0, $0xb8;
	[tilespmem:$0x1A000] =	vst v63  }
0x178: {  	s10 =	simm.s32 $0x11800  }
0x179: {  	[tilespmem:s10], [sflag:$0x2] =	stream.indirect_vreg.gather [hbm4b:s9+s1], $0x80, v3, vm0, $0xb8;
	[tilespmem:$0x1A000] =	vst v63  }
0x17a: {  	v3 =	vld.msk [tilespmem:s8+$0x190], $0xff;
	_ =	sdelay $0x4  }
0x17b: {  	v56 =	vshll.u32 v3, $0x2  }
0x17c: {  	v3 =	vand.u32 $0x7, v3;
	v4 =	vand.u32 $0xFFFFFFE0, v56  }
0x17d: {  	v3 =	vor.u32 v3, v4  }
0x17e: {  	v3 =	vperm.xlane v3, v0;
	_ =	sdelay $0x1  }
0x17f: {  	v3 =	vadd.s32 v1, v3;
	_ =	sdelay $0x4  }
0x180: {  	[tilespmem:s11], [sflag:$0x2] =	stream.indirect_vreg.gather [hbm4b:s3+s1], $0x80, v3, vm0, $0xb8;
	[tilespmem:$0x1A000] =	vst v63  }
0x181: {  	_ = 	snop  }
0x182: {  	[tilespmem:s12], [sflag:$0x2] =	stream.indirect_vreg.gather [hbm4b:s9+s1], $0x80, v3, vm0, $0xb8;
	[tilespmem:$0x1A000] =	vst v63  }
0x183: {  	v3 =	vld [tilespmem:s8+$0x198];
	_ =	sdelay $0x4  }
0x184: {  	v57 =	vshll.u32 v3, $0x2  }
0x185: {  	v3 =	vand.u32 $0x7, v3;
	v4 =	vand.u32 $0xFFFFFFE0, v57  }
0x186: {  	v3 =	vor.u32 v3, v4  }
0x187: {  	v4 =	vperm.xlane v3, v0;
	_ =	sdelay $0x1  }
0x188: {  	v4 =	vadd.s32 v1, v4;
	_ =	sdelay $0x1  }
0x189: {  	v3 =	vperm.xlane v3, v2;
	_ =	sdelay $0x1  }
0x18a: {  	v3 =	vadd.s32 v1, v3  }
0x18b: {  	[tilespmem:s16], [sflag:$0x2] =	stream.indirect_vreg.gather [hbm4b:s3+s1], $0x80, v4, vm0, $0xb8;
	[tilespmem:$0x1A000] =	vst v63  }
0x18c: {  	_ = 	snop  }
0x18d: {  	[tilespmem:s17], [sflag:$0x2] =	stream.indirect_vreg.gather [hbm4b:s9+s1], $0x80, v4, vm0, $0xb8;
	[tilespmem:$0x1A000] =	vst v63  }
0x18e: {  	_ = 	snop  }
0x18f: {  	[tilespmem:s18], [sflag:$0x2] =	stream.indirect_vreg.gather [hbm4b:s3+s1], $0x80, v3, vm0, $0xb8;
	[tilespmem:$0x1A000] =	vst v63  }
0x190: {  	_ = 	snop  }
0x191: {  	[tilespmem:s19], [sflag:$0x2] =	stream.indirect_vreg.gather [hbm4b:s9+s1], $0x80, v3, vm0, $0xb8;
	[tilespmem:$0x1A000] =	vst v63  }
0x192: {  	v3 =	vld [tilespmem:s8+$0x2180];
	_ =	sdelay $0x4  }
0x193: {  	v58 =	vshll.u32 v3, $0x1  }
0x194: {  	v3 =	vand.u32 $0x7, v3;
	v4 =	vand.u32 $0xFFFFFFF0, v58  }
0x195: {  	v3 =	vor.u32 v3, v4  }
0x196: {  	v4 =	vperm.xlane v3, v0;
	_ =	sdelay $0x1  }
0x197: {  	v3 =	vperm.xlane v3, v2;
	v4 =	vadd.s32 v1, v4;
	_ =	sdelay $0x1  }
0x198: {  	v3 =	vadd.s32 v1, v3;
	_ =	sdelay $0x2  }
0x199: {  	[tilespmem:s20], [sflag:$0x2] =	stream.indirect_vreg.gather [hbm4b:s4+s1], $0x80, v4, vm0, $0xb8;
	[tilespmem:$0x1A000] =	vst v63  }
0x19a: {  	_ = 	snop  }
0x19b: {  	[tilespmem:s21], [sflag:$0x2] =	stream.indirect_vreg.gather [hbm4b:s4+s1], $0x80, v3, vm0, $0xb8;
	[tilespmem:$0x1A000] =	vst v63  }
0x19c: {  	v3 =	vld.msk [tilespmem:s8+$0x2190], $0xff;
	_ =	sdelay $0x4  }
0x19d: {  	v59 =	vshll.u32 v3, $0x1  }
0x19e: {  	v3 =	vand.u32 $0x7, v3;
	v4 =	vand.u32 $0xFFFFFFF0, v59  }
0x19f: {  	v3 =	vor.u32 v3, v4  }
0x1a0: {  	v3 =	vperm.xlane v3, v0;
	_ =	sdelay $0x1  }
0x1a1: {  	v3 =	vadd.s32 v1, v3;
	_ =	sdelay $0x4  }
0x1a2: {  	[tilespmem:s22], [sflag:$0x2] =	stream.indirect_vreg.gather [hbm4b:s4+s1], $0x80, v3, vm0, $0xb8;
	[tilespmem:$0x1A000] =	vst v63  }
0x1a3: {  	v3 =	vld [tilespmem:s8+$0x2198];
	_ =	sdelay $0x4  }
0x1a4: {  	v60 =	vshll.u32 v3, $0x1  }
0x1a5: {  	v3 =	vand.u32 $0x7, v3;
	v4 =	vand.u32 $0xFFFFFFF0, v60  }
0x1a6: {  	v3 =	vor.u32 v3, v4  }
0x1a7: {  	v4 =	vperm.xlane v3, v0;
	_ =	sdelay $0x1  }
0x1a8: {  	v3 =	vperm.xlane v3, v2;
	v4 =	vadd.s32 v1, v4;
	_ =	sdelay $0x1  }
0x1a9: {  	v3 =	vadd.s32 v1, v3;
	_ =	sdelay $0x2  }
0x1aa: {  	[tilespmem:s23], [sflag:$0x2] =	stream.indirect_vreg.gather [hbm4b:s4+s1], $0x80, v4, vm0, $0xb8;
	[tilespmem:$0x1A000] =	vst v63  }
0x1ab: {  	_ = 	snop  }
0x1ac: {  	[tilespmem:s24], [sflag:$0x2] =	stream.indirect_vreg.gather [hbm4b:s4+s1], $0x80, v3, vm0, $0xb8;
	[tilespmem:$0x1A000] =	vst v63  }
0x1ad: {  	v3 =	vld [tilespmem:s8+$0x4180];
	_ =	sdelay $0x4  }
0x1ae: {  	v61 =	vshll.u32 v3, $0x1  }
0x1af: {  	v3 =	vand.u32 $0x7, v3;
	v4 =	vand.u32 $0xFFFFFFF0, v61  }
0x1b0: {  	v3 =	vor.u32 v3, v4  }
0x1b1: {  	v4 =	vperm.xlane v3, v0;
	_ =	sdelay $0x1  }
0x1b2: {  	v3 =	vperm.xlane v3, v2;
	v4 =	vadd.s32 v1, v4;
	_ =	sdelay $0x1  }
0x1b3: {  	v3 =	vadd.s32 v1, v3;
	_ =	sdelay $0x2  }
0x1b4: {  	[tilespmem:s25], [sflag:$0x2] =	stream.indirect_vreg.gather [hbm4b:s5+s1], $0x80, v4, vm0, $0xb8;
	[tilespmem:$0x1A000] =	vst v63  }
0x1b5: {  	_ = 	snop  }
0x1b6: {  	[tilespmem:s26], [sflag:$0x2] =	stream.indirect_vreg.gather [hbm4b:s5+s1], $0x80, v3, vm0, $0xb8;
	[tilespmem:$0x1A000] =	vst v63  }
0x1b7: {  	v3 =	vld.msk [tilespmem:s8+$0x4190], $0xff;
	_ =	sdelay $0x4  }
0x1b8: {  	v62 =	vshll.u32 v3, $0x1  }
0x1b9: {  	v3 =	vand.u32 $0x7, v3;
	v4 =	vand.u32 $0xFFFFFFF0, v62  }
0x1ba: {  	v3 =	vor.u32 v3, v4  }
0x1bb: {  	v3 =	vperm.xlane v3, v0;
	_ =	sdelay $0x1  }
0x1bc: {  	v3 =	vadd.s32 v1, v3;
	_ =	sdelay $0x4  }
0x1bd: {  	[tilespmem:s28], [sflag:$0x2] =	stream.indirect_vreg.gather [hbm4b:s5+s1], $0x80, v3, vm0, $0xb8;
	[tilespmem:$0x1A000] =	vst v63  }
0x1be: {  	v3 =	vld [tilespmem:s8+$0x4198];
	_ =	sdelay $0x4  }
0x1bf: {  	v63 =	vshll.u32 v3, $0x1  }
0x1c0: {  	v3 =	vand.u32 $0x7, v3;
	v4 =	vand.u32 $0xFFFFFFF0, v63  }
0x1c1: {  	v3 =	vor.u32 v3, v4  }
0x1c2: {  	v4 =	vperm.xlane v3, v0;
	_ =	sdelay $0x1  }
0x1c3: {  	v3 =	vperm.xlane v3, v2;
	v4 =	vadd.s32 v1, v4;
	_ =	sdelay $0x1  }
0x1c4: {  	v3 =	vadd.s32 v1, v3  }
.Ltmp3:
0x1c5: {  	_ = 	snop;
	(pc) =	sbr.rel .LBB2_2-.Ltmp3, $4  }
0x1c6: {  	_ = 	snop  }
0x1c7: {  	[tilespmem:s29], [sflag:$0x2] =	stream.indirect_vreg.gather [hbm4b:s5+s1], $0x80, v4, vm0, $0xb8;
	[tilespmem:$0x1A000] =	vst v63  }
0x1c8: {  	s7 =	sadd.s32 $0x400, s7;
	s14 =	sadd.s32 $0x1400, s14  }
0x1c9: {  	[tilespmem:s30], [sflag:$0x2] =	stream.indirect_vreg.gather [hbm4b:s5+s1], $0x80, v3, vm0, $0xb8;
	[tilespmem:$0x1A000] =	vst v63  }
.LBB2_5:
0x1ca: {  	_ =	sfence.sel $0x180000  }
0x1cb: {  	[bflag:$0x0] =	sbarrier.arrive $0xFFFF  }
0x1cc: {  	_ =	strace $0x90000047  }
0x1cd: {  	s0 =	stileid.u32;
	[bflag:$0x2] =	sbarrier.arrive $0xFFFF  }
0x1ce: {  	p0 =	sne.s32 s0, $0x0;
	s0 =	rddreg [dreg:$0x2]  }
0x1cf: {  	s0 =	sadd.s32 @!p0 $0x100000, s0  }
0x1d0: {  	[sflag:s0] =	ssyncadd.tile.s32 @!p0 $0x1;
	_ =	shalt  }
.Lfunc_end2:
_tile_overlayer_lowered:
.L_overlay_start_2:
0x1d1: {  	(tag) =	ssettag $0x2  }
0x1d2: {  	s0 =	rddreg [dreg:$0x0];
	s2 =	stileid.u32  }
0x1d3: {  	s1 =	rddreg [dreg:$0x1];
	p0 =	sne.s32 s2, $0x0  }
0x1d4: {  	s3 =	rddreg [dreg:$0x2];
	[bflag:$0x3] =	sbarrier.arrive $0xFFFF;
	s2 =	simm.s32 @!p0 $0x1C05  }
0x1d5: {  	[timem:s3], [sflag:s2] =	dma.local @!p0 [hbm:s0], s1  }
0x1d6: {  	s0 =	simm.s32 @!p0 $0x5  }
0x1d7: {  	_ =	swait.ge @!p0 [sflag:s0], s1  }
0x1d8: {  	s1 =	ssub.s32 @!p0 $0x0, s1;
	[sflag:s0] =	ssyncset.done @!p0 $0x0  }
0x1d9: {  	[sflag:s0] =	ssyncadd.s32 @!p0 s1  }
0x1da: {  	[bflag:$0x3] =	sbarrier.arrive $0xFFFF  }
0x1db: {  	_ =	shalt  }

// kernel: sparse-core-data-format-call.cloned.1.call-start
scs
called_computation_lowered:
.L_overlay_start_0:
0x0: {  	s2 =	sld [smem:$0x3FD9]  }
0x1: {  	s3 =	sld [smem:$0x3FFE];
	_ =	sdelay $0x1  }
0x2: {  	s1 =	srdreg.scid  }
0x3: {  	s0 =	sand.u32 $0x1, s1  }
0x4: {  	s18 =	sshll.u32 s0, $0xA;
	s2 =	sadd.s32 s3, s2  }
0x5: {  	s2 =	sadd.s32 s2, s18  }
0x6: {  	[smem:$0x3FC0] =	sst s2  }
0x7: {  	_ = 	snop  }
0x8: {  	s2 =	sld [smem:$0x3FD0];
	(tm) =	ssettm $0x1  }
0x9: {  	s19 =	sld [smem:$0x3FFB];
	_ =	sdelay $0x3  }
0xa: {  	_ =	strace s19  }
0xb: {  	s3 =	sld [smem:$0x3FFC];
	_ =	sdelay $0x3  }
0xc: {  	_ =	strace s3  }
0xd: {  	s3 =	sld [smem:$0x3FFD];
	_ =	sdelay $0x3  }
0xe: {  	_ =	strace s3  }
0xf: {  	_ =	strace $0x8FFFFFFF  }
0x10: {  	s20 =	sld [smem:$0x3FDB];
	_ =	sdelay $0x1  }
0x11: {  	s4 =	simm.s32 $_scs_section_size  }
0x12: {  	s5 =	simm.s32 $_size__tile_overlayer_lowered;
	s6 =	simm.s32 $_tile_overlayer_lowered  }
0x13: {  	s23 =	simm.s32 $0x1BFF;
	s22 =	sshll.u32 s6, $0x1;
	s3 =	sadd.s32 s4, s20  }
0x14: {  	s7 =	simm.s32 $0x0;
	s21 =	sshll.u32 s5, $0x1;
	s5 =	sadd.s32 s22, s3  }
0x15: {  	[timem:s7], [sflag:s23] =	dma.local [hbm:s5], s21  }
0x16: {  	_ =	swait.ge [sflag:s23], s21  }
0x17: {  	s4 =	ssub.s32 $0x0, s21;
	[sflag:s23] =	ssyncset.done $0x0  }
0x18: {  	[sflag:s23] =	ssyncadd.s32 s4;
	_ =	sdelay $0x1  }
0x19: {  	s24 =	simm.s32 $0x1B8B  }
0x1a: {  	_ =	swait.ge [sflag:s24], $0x1  }
0x1b: {  	[sflag:s24] =	ssyncset.done $0x0  }
0x1c: {  	s26 =	simm.s32 $0x1B8E;
	s25 =	sld [smem:$0x3FFE];
	[sflag:s24] =	ssyncadd.s32 $0xFFFFFFFF  }
0x1d: {  	s27 =	simm.s32 $execute0_lowered;
	[smem:$0x3FD2] =	sst s26  }
0x1e: {  	s5 =	sshll.u32 s27, $0x1;
	_ =	strace $0x80000049;
	[dreg:$0x1] =	wrdreg $0xFFFFFFFF  }
0x1f: {  	s28 =	simm.s32 $_size_execute0_lowered;
	s3 =	sadd.s32 s3, s5;
	[dreg:$0x0] =	wrdreg $0x0  }
0x20: {  	s5 =	sshll.u32 s28, $0x1;
	[dreg:$0x2] =	wrdreg s3  }
0x21: {  	[dreg:$0x3] =	wrdreg s5  }
0x22: {  	[dreg:$0x4] =	wrdreg $0xC0  }
0x23: {  	_ =	task [dreg:s7], $0x5FFFF  }
0x24: {  	[dreg:$0x1] =	wrdreg $0xFFFFFFFF  }
0x25: {  	[dreg:$0x0] =	wrdreg $0x60  }
0x26: {  	[dreg:$0x2] =	wrdreg s25  }
0x27: {  	[dreg:$0x3] =	wrdreg s2  }
0x28: {  	[dreg:$0x4] =	wrdreg $0x9  }
0x29: {  	_ =	task.clear_ibuf [dreg:s7], $0x5FFFF;
	_ =	strace $0x90000049  }
0x2a: {  	s29 =	simm.s32 $0x9;
	_ =	strace $0x8000004B  }
0x2b: {  	_ =	swait.ge [sflag:s29], $0x1  }
0x2c: {  	[sflag:s29] =	ssyncadd.s32 $0xFFFFFFFF  }
0x2d: {  	_ =	strace $0x9000004B  }
0x2e: {  	_ =	sfence  }
0x2f: {  	s30 =	sld [smem:$0x0];
	_ =	sdelay $0x2  }
0x30: {  	s31 =	sshll.u32 s1, $0xD;
	s1 =	sshrl.u32 s1, $0x2  }
0x31: {  	s3 =	sand.u32 $0x4000, s31;
	s1 =	sadd.s32 s1, s30  }
0x32: {  	s0 =	sor.u32 s3, s0;
	s1 =	sshll.u32 s1, $0x11  }
0x33: {  	s0 =	sor.u32 s1, s0  }
0x34: {  	s0 =	sadd.s32 $0x8F2B, s0  }
0x35: {  	[sflag:s0] =	ssyncadd.remote.s32 $0x1  }
0x36: {  	_ =	sfence.sel $0xFFFF  }
0x37: {  	[dreg:$0x0] =	wrdreg $0xFFFFFFFF;
	(pc) =	sbr.abs _section_cstart, $3  }
0x38: {  	[dreg:$0x1] =	wrdreg $0xFFFFFFFF  }
0x39: {  	_ =	task.clear_ibuf [dreg:s7], $0x2FFFF;
	_ =	strace $0x9FFFFFFF  }
0x3a: {  	(tm) =	ssettm $0x7FFFFFFF  }
0x3b: {  	_ =	shalt  }
tec
execute0_lowered:
.L_overlay_start_1:
0x0: {  	(tag) =	ssettag $0x1  }
0x1: {  	s0 =	srdreg.scid  }
0x2: {  	s1 =	sshll.u32 s0, $0x4  }
0x3: {  	s6 =	rddreg [dreg:$0x0];
	s0 =	stileid.u32;
	s1 =	sand.u32 $0x10, s1  }
0x4: {  	s3 =	rddreg [dreg:$0x1];
	s1 =	sor.u32 s0, s1  }
0x5: {  	s5 =	simm.s32 $0x1;
	s31 =	simm.s32 $0x2;
	s2 =	sshll.u32 s1, $0x7  }
0x6: {  	s14 =	simm.s32 $0x0;
	s8 =	simm.s32 $0x1000;
	s4 =	ssub.s32 $0x1000, s2  }
0x7: {  	s9 =	simm.s32 $0x0;
	s15 =	simm.s32 $0x0;
	s30 =	sand.u32 $0xF80, s4  }
0x8: {  	s16 =	simm.s32 $0x0;
	s10 =	simm.s32 $0x0;
	p0 =	sne.s32 s30, $0x0  }
.Ltmp0:
0x9: {  	s7 =	sshrl.u32 s4, $0xC;
	s5 =	simm.s32 @!p0 $0x0;
	(pc) =	sbr.rel .LBB1_1-.Ltmp0, $4  }
0xa: {  	s11 =	simm.s32 $0x0;
	s1 =	rddreg [dreg:$0x2];
	s5 =	sadd.s32 s5, s7  }
0xb: {  	_ =	strace $0x8000004A;
	s4 =	simm.s32 $0x1;
	s5 =	smul.u32 $0x50, s5  }
0xc: {  	s13 =	simm.s32 $0x0;
	s6 =	sadd.s32 $0xE00, s6;
	[sflag:s4] =	ssyncpa.u1 $0x0  }
0xd: {  	s12 =	smov.u32 s2;
	[sflag:s31] =	ssyncpa.u1 $0x0;
	s7 =	sor.u32 $0x1, s5  }
.LBB1_4:
0xe: {  	_ =	sdelay $0x3  }
0xf: {  	[tilespmem:v0+s19+$0xFFFFFFD0 ss:$0x1] =	vst.idx.msk $0xffff, v6  }
0x10: {  	v56 =	vld.idx.msk [tilespmem:v1+s18+$0x0 ss:$0x1], $0xffff;
	[tilespmem:v0+s19+$0xFFFFFFE0 ss:$0x1] =	vst.idx.msk $0xffff, v4  }
0x11: {  	v57 =	vld.idx.msk [tilespmem:v1+s18+$0xFFFFFF90 ss:$0x1], $0xffff;
	[tilespmem:v0+s19+$0xFFFFFFF0 ss:$0x1] =	vst.idx.msk $0xffff, v2  }
0x12: {  	v58 =	vld.idx.msk [tilespmem:v1+s18+$0xFFFFFFA0 ss:$0x1], $0xffff;
	[tilespmem:v0+s19+$0x0 ss:$0x1] =	vst.idx.msk $0xffff, v3  }
0x13: {  	v59 =	vld.idx.msk [tilespmem:v1+s18+$0xFFFFFFB0 ss:$0x1], $0xffff;
	[tilespmem:v0+s19+$0x10 ss:$0x1] =	vst.idx.msk $0xffff, v5  }
0x14: {  	v60 =	vld.idx.msk [tilespmem:v1+s18+$0xFFFFFFC0 ss:$0x1], $0xffff;
	[tilespmem:v0+s19+$0x20 ss:$0x1] =	vst.idx.msk $0xffff, v7  }
0x15: {  	v61 =	vld.idx.msk [tilespmem:v1+s18+$0xFFFFFFD0 ss:$0x1], $0xffff;
	s27 =	sshll.u32 s16, $0x9;
	[tilespmem:v0+s18+$0x30 ss:$0x1] =	vst.idx.msk $0xffff, v56  }
0x16: {  	s20 =	sshll.u32 s14, $0x3;
	v62 =	vld.idx.msk [tilespmem:v1+s18+$0xFFFFFFE0 ss:$0x1], $0xffff;
	s28 =	sshll.u32 s16, $0x7;
	s30 =	sand.u32 $0x78, s14;
	[tilespmem:v0+s18+$0xFFFFFFC0 ss:$0x1] =	vst.idx.msk $0xffff, v57  }
0x17: {  	v63 =	vld.idx.msk [tilespmem:v1+s18+$0xFFFFFFF0 ss:$0x1], $0xffff;
	s15 =	sshll.u32 s15, $0x12;
	s19 =	sand.u32 $0x1FF000, s27;
	s20 =	sand.u32 $0x1FFC00, s20;
	[tilespmem:v0+s18+$0xFFFFFFD0 ss:$0x1] =	vst.idx.msk $0xffff, v58  }
0x18: {  	s29 =	sand.u32 $0x200, s28;
	s16 =	sand.u32 $0x180, s28;
	s19 =	sadd.s32 s19, s20;
	[tilespmem:v0+s18+$0xFFFFFFE0 ss:$0x1] =	vst.idx.msk $0xffff, v59  }
0x19: {  	s31 =	sand.u32 $0x7, s14;
	s16 =	sor.u32 s16, s30;
	s19 =	sor.u32 s29, s19;
	[tilespmem:v0+s18+$0xFFFFFFF0 ss:$0x1] =	vst.idx.msk $0xffff, v60  }
0x1a: {  	s15 =	sadd.s32 s3, s15;
	s16 =	sshrl.u32 s16, $0x3;
	s19 =	sshrl.u32 s19, $0x3;
	[tilespmem:v0+s18+$0x0 ss:$0x1] =	vst.idx.msk $0xffff, v61  }
0x1b: {  	s14 =	sshll.u32 s31, $0x12;
	s15 =	sadd.s32 s16, s15;
	[tilespmem:v0+s18+$0x10 ss:$0x1] =	vst.idx.msk $0xffff, v62;
	s19 =	sand.u32 $0x3FFC0, s19  }
0x1c: {  	s14 =	sor.u32 $0x400, s14;
	[tilespmem:v0+s18+$0x20 ss:$0x1] =	vst.idx.msk $0xffff, v63;
	s15 =	sadd.s32 s19, s15  }
0x1d: {  	[hbm4b:s15+s14] =	stream.strided.scatter [tilespmem:s17], [sflag:$0x2], $0x4000, s8, s14, $0x38;
	[tilespmem:$0x10000] =	vst v63  }
.LBB1_5:
0x1e: {  	s17 =	sadd.s32 $0x80, s10  }
0x1f: {  	s14 =	simm.s32 $0x1;
	p1 =	sgt.s32 s17, $0x1FF  }
0x20: {  	s14 =	simm.s32 @!p1 $0x0  }
0x21: {  	s18 =	sadd.s32 s14, s11  }
0x22: {  	s20 =	smov.u32 s12;
	s14 =	sadd.s32 $0x1000, s12;
	p2 =	sgt.s32 s18, $0x13  }
0x23: {  	s20 =	smov.u32 @p2 s14  }
0x24: {  	p0 =	slt.u32 s13, $0x2;
	s17 =	simm.s32 @p1 $0x0;
	p1 =	sgt.s32 s20, $0xFFF  }
0x25: {  	s19 =	simm.s32 @!p0 $0x2;
	s20 =	smov.u32 @p1 s2;
	p1 =	sne.s32 s13, s7  }
.Ltmp1:
0x26: {  	_ =	swait.ge @!p0 [sflag:s19], $0x4000;
	(pc) =	sbr.rel @!p1 .LBB1_6-.Ltmp1, $4  }
0x27: {  	s15 =	smov.u32 s11;
	[sflag:s19] =	ssyncset.done @!p0 $0x0  }
0x28: {  	s16 =	smov.u32 s12;
	s9 =	sadd.s32 $0x4000, s9;
	[sflag:s19] =	ssyncadd.s32 @!p0 $0xFFFFC000  }
0x29: {  	s18 =	simm.s32 @p2 $0x0;
	s14 =	smov.u32 s10;
	s10 =	smov.u32 s17  }
0x2a: {  	s11 =	smov.u32 s18;
	s13 =	sadd.s32 $0x1, s13;
	s12 =	smov.u32 s20  }
.LBB1_1:
0x2b: {  	p0 =	sge.u32 s13, s5  }
0x2c: {  	s17 =	sshll.u32 @!p0 s11, $0x9;
	s18 =	sshll.u32 @!p0 s10, $0x3  }
0x2d: {  	s19 =	sshll.u32 @!p0 s11, $0x7;
	s17 =	sand.u32 @!p0 $0xFFFFF000, s17;
	s18 =	sand.u32 @!p0 $0xFFFFFC00, s18  }
0x2e: {  	s17 =	sadd.s32 @!p0 s17, s18;
	s18 =	sand.u32 @!p0 $0x200, s19  }
0x2f: {  	s17 =	sor.u32 @!p0 s18, s17  }
0x30: {  	s17 =	sshrl.u32 @!p0 s17, $0x9  }
0x31: {  	s31 =	sadd.s32 $0xFFFFFFFF, s13;
	s18 =	smulhi.u32 @!p0 $0xAAAAAAB, s17  }
0x32: {  	s20 =	sxor.u32 @!p0 $0xFFFFFFFF, s13;
	s21 =	sand.u32 @!p0 $0x78, s10;
	s22 =	smul.u32 @!p0 $0x600, s12  }
0x33: {  	s20 =	sshll.u32 @!p0 s20, $0xE;
	s19 =	sand.u32 @!p0 $0x180, s19;
	s18 =	smul.u32 @!p0 $0x18, s18  }
0x34: {  	s20 =	sand.u32 @!p0 $0x4000, s20;
	s19 =	sor.u32 @!p0 s21, s19;
	s21 =	sand.u32 @!p0 $0x7, s10  }
0x35: {  	s17 =	ssub.s32 @!p0 s17, s18;
	s18 =	sshrl.u32 @!p0 s19, $0x3;
	s19 =	sadd.s32 @!p0 s6, s22  }
0x36: {  	s17 =	sshll.u32 @!p0 s17, $0x6;
	s18 =	sadd.s32 @!p0 s18, s19;
	s19 =	sshll.u32 @!p0 s21, $0x12  }
0x37: {  	s17 =	sadd.s32 @!p0 s17, s18;
	s18 =	sor.u32 @!p0 $0x80, s19;
	s19 =	simm.s32 @!p0 $0x3000  }
0x38: {  	[tilespmem:s20], [sflag:$0x1] =	stream.strided.gather @!p0 [hbm4b:s17+s18], $0x4000, s19, s18, $0x38;
	[tilespmem:$0x10000] =	vst v63  }
0x39: {  	p0 =	sge.u32 s31, s5  }
.Ltmp2:
0x3a: {  	_ = 	snop;
	(pc) =	sbr.rel @p0 .LBB1_5-.Ltmp2, $1  }
0x3b: {  	_ =	sdelay $0x3  }
0x3c: {  	s17 =	sand.u32 $0x4000, s9  }
0x3d: {  	s18 =	sor.u32 $0x70, s17  }
0x3e: {  	v1 =	vmov s18;
	_ =	sdelay $0x1  }
0x3f: {  	_ =	swait.ge [sflag:s4], $0x4000  }
0x40: {  	[sflag:s4] =	ssyncset.done $0x0  }
0x41: {  	s19 =	simm.s32 $0x0;
	[sflag:s4] =	ssyncadd.s32 $0xFFFFC000  }
0x42: {  	s17 =	sor.u32 $0x8040, s17;
	v7 =	vld.idx.msk [tilespmem:v1+s19+$0x0 ss:$0x1], $0xffff  }
0x43: {  	v0 =	vmov s17;
	v8 =	vld.idx.msk [tilespmem:v1+s19+$0xFFFFFF90 ss:$0x1], $0xffff  }
0x44: {  	v6 =	vld.idx.msk [tilespmem:v1+s19+$0xFFFFFFA0 ss:$0x1], $0xffff  }
0x45: {  	v4 =	vld.idx.msk [tilespmem:v1+s19+$0xFFFFFFB0 ss:$0x1], $0xffff  }
0x46: {  	v2 =	vld.idx.msk [tilespmem:v1+s19+$0xFFFFFFC0 ss:$0x1], $0xffff  }
0x47: {  	s31 =	sshll.u32 s13, $0xE;
	v3 =	vld.idx.msk [tilespmem:v1+s19+$0xFFFFFFD0 ss:$0x1], $0xffff  }
0x48: {  	s17 =	sand.u32 $0x4000, s31;
	v5 =	vld.idx.msk [tilespmem:v1+s19+$0xFFFFFFE0 ss:$0x1], $0xffff;
	[tilespmem:v0+s19+$0x30 ss:$0x1] =	vst.idx.msk $0xffff, v7  }
0x49: {  	s20 =	simm.s32 $0x400;
	s18 =	simm.s32 $0x80;
	s17 =	sor.u32 $0x8000, s17;
	[tilespmem:v0+s19+$0xFFFFFFC0 ss:$0x1] =	vst.idx.msk $0xffff, v8;
	v7 =	vld.idx.msk [tilespmem:v1+s19+$0xFFFFFFF0 ss:$0x1], $0xffff  }
.LBB1_3:
0x4a: {  	p0 =	sne.s32 s20, $0xFE00;
	v8 =	vld.idx.msk [tilespmem:v1+s18+$0x0 ss:$0x1], $0xffff;
	[tilespmem:v0+s19+$0xFFFFFFD0 ss:$0x1] =	vst.idx.msk $0xffff, v6  }
0x4b: {  	v9 =	vld.idx.msk [tilespmem:v1+s18+$0xFFFFFF90 ss:$0x1], $0xffff;
	[tilespmem:v0+s19+$0xFFFFFFE0 ss:$0x1] =	vst.idx.msk $0xffff, v4  }
0x4c: {  	v6 =	vld.idx.msk [tilespmem:v1+s18+$0xFFFFFFA0 ss:$0x1], $0xffff;
	[tilespmem:v0+s19+$0xFFFFFFF0 ss:$0x1] =	vst.idx.msk $0xffff, v2  }
.Ltmp3:
0x4d: {  	v4 =	vld.idx.msk [tilespmem:v1+s18+$0xFFFFFFB0 ss:$0x1], $0xffff;
	[tilespmem:v0+s19+$0x0 ss:$0x1] =	vst.idx.msk $0xffff, v3;
	(pc) =	sbr.rel @p0 .LBB1_3-.Ltmp3, $4  }
0x4e: {  	v2 =	vld.idx.msk [tilespmem:v1+s18+$0xFFFFFFC0 ss:$0x1], $0xffff;
	[tilespmem:v0+s19+$0x10 ss:$0x1] =	vst.idx.msk $0xffff, v5  }
0x4f: {  	v3 =	vld.idx.msk [tilespmem:v1+s18+$0xFFFFFFD0 ss:$0x1], $0xffff;
	[tilespmem:v0+s19+$0x20 ss:$0x1] =	vst.idx.msk $0xffff, v7;
	s19 =	smov.u32 s18  }
0x50: {  	v5 =	vld.idx.msk [tilespmem:v1+s19+$0xFFFFFFE0 ss:$0x1], $0xffff;
	[tilespmem:v0+s19+$0x30 ss:$0x1] =	vst.idx.msk $0xffff, v8  }
0x51: {  	s18 =	sshra.s32 s20, $0x2;
	s20 =	sadd.s32 $0x200, s20;
	[tilespmem:v0+s19+$0xFFFFFFC0 ss:$0x1] =	vst.idx.msk $0xffff, v9;
	v7 =	vld.idx.msk [tilespmem:v1+s19+$0xFFFFFFF0 ss:$0x1], $0xffff  }
.Ltmp4:
0x52: {  	_ = 	snop;
	(pc) =	sbr.rel .LBB1_4-.Ltmp4, $1  }
0x53: {  	_ =	sdelay $0x3  }
.LBB1_6:
0x54: {  	_ =	sfence.sel $0x180000  }
0x55: {  	s2 =	simm.s32 $0x1;
	[bflag:$0x0] =	sbarrier.arrive $0xFFFF  }
0x56: {  	s31 =	simm.s32 $0x2;
	[sflag:s2] =	ssyncpa.u1 $0x1  }
0x57: {  	[sflag:s31] =	ssyncpa.u1 $0x1  }
0x58: {  	p0 =	sne.s32 s0, $0x0;
	_ =	strace $0x9000004A  }
0x59: {  	s0 =	sadd.s32 @!p0 $0x100000, s1;
	[bflag:$0x2] =	sbarrier.arrive $0xFFFF  }
0x5a: {  	[sflag:s0] =	ssyncadd.tile.s32 @!p0 $0x1;
	_ =	shalt  }
.Lfunc_end1:
_tile_overlayer_lowered:
.L_overlay_start_2:
0x5b: {  	(tag) =	ssettag $0x2  }
0x5c: {  	s0 =	rddreg [dreg:$0x0];
	s2 =	stileid.u32  }
0x5d: {  	s1 =	rddreg [dreg:$0x1];
	p0 =	sne.s32 s2, $0x0  }
0x5e: {  	s3 =	rddreg [dreg:$0x2];
	[bflag:$0x3] =	sbarrier.arrive $0xFFFF;
	s2 =	simm.s32 @!p0 $0x1C01  }
0x5f: {  	[timem:s3], [sflag:s2] =	dma.local @!p0 [hbm:s0], s1  }
0x60: {  	s0 =	simm.s32 @!p0 $0x1  }
0x61: {  	_ =	swait.ge @!p0 [sflag:s0], s1  }
0x62: {  	s1 =	ssub.s32 @!p0 $0x0, s1;
	[sflag:s0] =	ssyncset.done @!p0 $0x0  }
0x63: {  	[sflag:s0] =	ssyncadd.s32 @!p0 s1  }
0x64: {  	[bflag:$0x3] =	sbarrier.arrive $0xFFFF  }
0x65: {  	_ =	shalt  }

</sc_bundles>
